<compile_context>
chip_gen: v7x
topology: tpu7x:2x2x1
jax: 0.10.2.dev20260603
libtpu: 0.0.44.dev20260713+nightly
codegen_flags: <defaults>
</compile_context>

<pallas_src>
import functools

import jax
import jax.numpy as jnp
from jax import lax
from jax.experimental import pallas as pl
from jax.experimental.pallas import tpu as pltpu
from jax.experimental.pallas import tpu_sc as plsc

N_NODES = 10000
N_PAD = 10112
N_EDGES = 320000
D = 128
RPT = N_PAD // 16

NC = 2
NS = 16
NW = NC * NS
E_PER_TILE = N_EDGES // NW
K = 64
NPAIR = 78
TAIL = 16


def _sc_aggregate(x, em, et, zeros48):
    mesh = plsc.VectorSubcoreMesh(core_axis_name="c", subcore_axis_name="s")

    @functools.partial(
        pl.kernel,
        mesh=mesh,
        out_type=[
            jax.ShapeDtypeStruct((NC, N_PAD, D), jnp.float32),
            jax.ShapeDtypeStruct((NC, NS, N_PAD), jnp.float32),
        ],
        compiler_params=pltpu.CompilerParams(use_tc_tiling_on_sc=False,
                                             needs_layout_passes=False),
        scratch_types=[
            pltpu.VMEM((2, 2, K), jnp.int32),
            pltpu.VMEM((2, 2, K), jnp.int32),
            pltpu.VMEM((2, TAIL), jnp.int32),
            pltpu.VMEM((K, D), jnp.float32),
            pltpu.VMEM((K, D), jnp.float32),
            pltpu.VMEM((TAIL, D), jnp.float32),
            pltpu.VMEM((N_PAD,), jnp.float32),
            pltpu.VMEM_SHARED((N_PAD, D), jnp.float32),
            pltpu.SemaphoreType.DMA,
            pltpu.SemaphoreType.DMA,
            pltpu.SemaphoreType.DMA,
        ],
    )
    def k(x_hbm, em_hbm, et_hbm, z_hbm,
          aggr_out, hist_out,
          eidxA, eidxB, tidx, rowsA, rowsB, rowsT, hist_v, aggr_sh,
          semA, semB, semI):
        c = lax.axis_index("c")
        s = lax.axis_index("s")
        wid = s * NC + c

        zeros16 = jnp.zeros((16,), jnp.float32)
        ones16 = jnp.ones((16,), jnp.float32)

        def zh(i, carry):
            hist_v[pl.ds(i * 16, 16)] = zeros16
            return carry

        lax.fori_loop(0, N_PAD // 16, zh, 0)

        pltpu.sync_copy(z_hbm, rowsA)
        for j in range(9):
            pltpu.sync_copy(rowsA, aggr_sh.at[pl.ds(s * RPT + j * K, K)])
        pltpu.sync_copy(rowsA.at[pl.ds(0, 56)],
                        aggr_sh.at[pl.ds(s * RPT + 9 * K, 56)])
        plsc.subcore_barrier()

        def histo(idx_ref, a, b, n):
            for g in range(n // 16):
                dvec = idx_ref[a, b, pl.ds(g * 16, 16)]
                plsc.addupdate_scatter(hist_v, [dvec], ones16)

        def pair_step(p, cur_idx, nxt_idx):
            pf = pltpu.async_copy(em_hbm.at[wid, p + 1], nxt_idx, semI)
            pltpu.make_async_copy(
                x_hbm.at[cur_idx.at[0, 0]], rowsA, semA).wait()
            g2 = pltpu.async_copy(
                x_hbm.at[cur_idx.at[0, 1]], rowsB, semB)
            pltpu.sync_copy(rowsA, aggr_sh.at[cur_idx.at[1, 0]], add=True)
            histo(cur_idx, 1, 0, K)
            pf.wait()
            pltpu.async_copy(
                x_hbm.at[nxt_idx.at[0, 0]], rowsA, semA)
            g2.wait()
            pltpu.sync_copy(rowsB, aggr_sh.at[cur_idx.at[1, 1]], add=True)
            histo(cur_idx, 1, 1, K)

        pltpu.sync_copy(em_hbm.at[wid, 0], eidxA)
        pltpu.async_copy(x_hbm.at[eidxA.at[0, 0]], rowsA, semA)

        def body(j, carry):
            pair_step(2 * j, eidxA, eidxB)
            pair_step(2 * j + 1, eidxB, eidxA)
            return carry

        lax.fori_loop(0, NPAIR // 2, body, 0)

        pltpu.make_async_copy(x_hbm.at[eidxA.at[0, 0]], rowsA, semA).wait()

        pltpu.sync_copy(et_hbm.at[wid], tidx)
        pltpu.async_copy(x_hbm.at[tidx.at[0]], rowsT, semB).wait()
        pltpu.sync_copy(rowsT, aggr_sh.at[tidx.at[1]], add=True)
        dvec_t = tidx[1, pl.ds(0, 16)]
        plsc.addupdate_scatter(hist_v, [dvec_t], ones16)

        pltpu.sync_copy(hist_v, hist_out.at[c, s])

        plsc.subcore_barrier()

        for j in range(9):
            r0 = s * RPT + j * K
            pltpu.sync_copy(aggr_sh.at[pl.ds(r0, K)], rowsA)
            pltpu.sync_copy(rowsA, aggr_out.at[c, pl.ds(r0, K)])
        r0 = s * RPT + 9 * K
        pltpu.sync_copy(aggr_sh.at[pl.ds(r0, 56)], rowsA.at[pl.ds(0, 56)])
        pltpu.sync_copy(rowsA.at[pl.ds(0, 56)], aggr_out.at[c, pl.ds(r0, 56)])

    return k(x, em, et, zeros48)


BLK = 400


def _tc_combine(p, hist, x, W_l, b_l, W_r):
    def body(p_ref, h_ref, x_ref, wl_ref, bl_ref, wr_ref, o_ref):
        ssum = p_ref[0] + p_ref[1]
        deg = jnp.sum(h_ref[...], axis=1)[:, None]
        deg = jnp.maximum(deg, 1.0)
        aggr = ssum / deg
        acc = jnp.dot(aggr, wl_ref[...], preferred_element_type=jnp.float32)
        acc = acc + jnp.dot(x_ref[...], wr_ref[...],
                            preferred_element_type=jnp.float32)
        acc = acc + bl_ref[...]
        o_ref[...] = jnp.maximum(acc, 0.0)

    return pl.pallas_call(
        body,
        grid=(N_NODES // BLK,),
        in_specs=[
            pl.BlockSpec((NC, BLK, D), lambda i: (0, i, 0)),
            pl.BlockSpec((BLK, NC * NS), lambda i: (i, 0)),
            pl.BlockSpec((BLK, D), lambda i: (i, 0)),
            pl.BlockSpec((D, D), lambda i: (0, 0)),
            pl.BlockSpec((1, D), lambda i: (0, 0)),
            pl.BlockSpec((D, D), lambda i: (0, 0)),
        ],
        out_specs=pl.BlockSpec((BLK, D), lambda i: (i, 0)),
        out_shape=jax.ShapeDtypeStruct((N_NODES, D), jnp.float32),
    )(p, hist.reshape(NC * NS, N_PAD).T, x, W_l, b_l.reshape(1, D), W_r)


def kernel(x, edge_index, W_l, b_l, W_r):
    src = edge_index[0].astype(jnp.int32).reshape(NW, E_PER_TILE)
    dst = edge_index[1].astype(jnp.int32).reshape(NW, E_PER_TILE)
    main = NPAIR * 2 * K
    srcm = src[:, :main].reshape(NW, NPAIR, 2, K)
    dstm = dst[:, :main].reshape(NW, NPAIR, 2, K)
    em = jnp.stack([srcm, dstm], axis=2)
    em = jnp.pad(em, ((0, 0), (0, 1), (0, 0), (0, 0), (0, 0)))
    et = jnp.stack([src[:, main:], dst[:, main:]], axis=1)
    zeros48 = jnp.zeros((K, D), jnp.float32)
    p, hist = _sc_aggregate(x, em, et, zeros48)
    return _tc_combine(p, hist, x, W_l, b_l, W_r)

# --- scband reference (transcript-rebuilt; emitter-appended) ---
"""Pipeline reference for scband-simple-gnn-7421703488065 (READ-ONLY COPY).

The authoritative reference and input builder live on the scoring server;
editing this copy changes nothing except your own understanding.
"""

import jax, jax.numpy as jnp
import numpy as np

N_NODES = 10000
N_EDGES = 320000
D_IN = 128
D_OUT = 128


def setup_inputs(seed: int = 0) -> dict:
    key = jax.random.key(seed)
    k1, k2, k3, k4 = jax.random.split(key, 4)
    x = jax.random.normal(k1, (N_NODES, D_IN), dtype=jnp.float32)
    edge_index = jax.random.randint(k2, (2, N_EDGES), 0, N_NODES)
    # SAGEConv parameters: lin_l (applied to aggregated neighbors, with bias),
    # lin_r (applied to root/self features, no bias)
    W_l = jax.random.normal(k3, (D_IN, D_OUT), dtype=jnp.float32) * 0.05
    b_l = jnp.zeros((D_OUT,), dtype=jnp.float32)
    W_r = jax.random.normal(k4, (D_IN, D_OUT), dtype=jnp.float32) * 0.05
    return {"x": x, "edge_index": edge_index, "W_l": W_l, "b_l": b_l, "W_r": W_r}


def reference(x, edge_index, W_l, b_l, W_r):
    # PyG SAGEConv with mean aggregation:
    # out = lin_l(mean_{j in N(i)} x_j) + lin_r(x_i), then ReLU (from SimpleGNN)
    src = edge_index[0]
    dst = edge_index[1]
    msgs = jnp.take(x, src, axis=0)  # gather source node features per edge
    aggr = jax.ops.segment_sum(msgs, dst, num_segments=N_NODES)
    deg = jax.ops.segment_sum(jnp.ones((N_EDGES,), dtype=x.dtype), dst, num_segments=N_NODES)
    aggr = aggr / jnp.maximum(deg, 1.0)[:, None]
    out = aggr @ W_l + b_l + x @ W_r
    return jax.nn.relu(out)

if __name__ == "__main__":
    import jax
    _d = setup_inputs()
    print(jax.jit(kernel)(*tuple(_d.values())))

</pallas_src>

<mosaic_0001>
#map = affine_map<(d0, d1) -> (0, 0)>
#map1 = affine_map<(d0, d1) -> (0, 0, 0, 0, 0)>
#map2 = affine_map<(d0, d1) -> (0, 0, 0)>
module attributes {stable_mosaic.version = 14 : i64} {
  func.func @k(%arg0: i32, %arg1: i32, %arg2: memref<10000x128xf32, #tpu.memory_space<hbm>>, %arg3: memref<32x79x2x2x64xi32, #tpu.memory_space<hbm>>, %arg4: memref<32x2x16xi32, #tpu.memory_space<hbm>>, %arg5: memref<64x128xf32, #tpu.memory_space<hbm>>, %arg6: memref<2x10112x128xf32, #tpu.memory_space<hbm>>, %arg7: memref<2x16x10112xf32, #tpu.memory_space<hbm>>, %arg8: memref<2x2x64xi32, #tpu.memory_space<vmem>>, %arg9: memref<2x2x64xi32, #tpu.memory_space<vmem>>, %arg10: memref<2x16xi32, #tpu.memory_space<vmem>>, %arg11: memref<64x128xf32, #tpu.memory_space<vmem>>, %arg12: memref<64x128xf32, #tpu.memory_space<vmem>>, %arg13: memref<16x128xf32, #tpu.memory_space<vmem>>, %arg14: memref<10112xf32, #tpu.memory_space<vmem>>, %arg15: memref<10112x128xf32, #tpu.memory_space<vmem_shared>>, %arg16: memref<!tpu.dma_semaphore, #tpu.memory_space<semaphore_mem>>, %arg17: memref<!tpu.dma_semaphore, #tpu.memory_space<semaphore_mem>>, %arg18: memref<!tpu.dma_semaphore, #tpu.memory_space<semaphore_mem>>) attributes {dimension_semantics = [#tpu.dimension_semantics<core_parallel>, #tpu.dimension_semantics<subcore_parallel>], iteration_bounds = array<i64: 2, 16>, scalar_prefetch = 0 : i64, scratch_operands = 11 : i64, tpu.core_type = #tpu.core_type<sc_vector_subcore>, window_params = [{transform_indices = #map}, {transform_indices = #map1}, {transform_indices = #map2}, {transform_indices = #map}, {transform_indices = #map2}, {transform_indices = #map2}]} {
    %mul3A = arith.constant 2 : i32
    %mul3A_0 = arith.muli %arg1, %mul3A : i32
    %add3A = arith.addi %mul3A_0, %arg0 : i32
    %broadcast_in_dim3A = arith.constant 0.000000e+00 : f32
    %broadcast_in_dim3A_1 = vector.broadcast %broadcast_in_dim3A : f32 to vector<16xf32>
    %broadcast_in_dim3A_2 = arith.constant 1.000000e+00 : f32
    %broadcast_in_dim3A_3 = vector.broadcast %broadcast_in_dim3A_2 : f32 to vector<16xf32>
    %scan3A = arith.constant 0 : i32
    %scan3A_4 = arith.constant 0 : i32
    %scan3A_5 = arith.constant 632 : i32
    %scan3A_6 = arith.addi %scan3A_4, %scan3A_5 : i32
    %scan3A_7 = arith.constant 1 : i32
    scf.for %scan3A_128 = %scan3A_4 to %scan3A_6 step %scan3A_7  : i32 {
      %mul3A_129 = arith.constant 16 : i32
      %mul3A_130 = arith.muli %scan3A_128, %mul3A_129 : i32
      %swap3A = arith.index_cast %mul3A_130 : i32 to index
      %swap3A_131 = tpu.vector_load %arg14[%swap3A] {strides = array<i32>} : memref<10112xf32, #tpu.memory_space<vmem>>, vector<16xf32>,
      tpu.vector_store %arg14[%swap3A], %broadcast_in_dim3A_1 {strides = array<i32>} : memref<10112xf32, #tpu.memory_space<vmem>>, vector<16xf32>,
    }
    %scan3A_8 = arith.constant 632 : i32
    "tpu.region"() ({
      %run_scoped3A_128 = tpu.sem_alloc : memref<!tpu.dma_semaphore, #tpu.memory_space<semaphore_mem>>
      tpu.enqueue_dma source(%arg5 : memref<64x128xf32, #tpu.memory_space<hbm>>) target(%arg11 : memref<64x128xf32, #tpu.memory_space<vmem>>) target_semaphore(%run_scoped3A_128 : memref<!tpu.dma_semaphore, #tpu.memory_space<semaphore_mem>>)
      tpu.wait_dma2 semaphore(%run_scoped3A_128 : memref<!tpu.dma_semaphore, #tpu.memory_space<semaphore_mem>>) src(%arg5 : memref<64x128xf32, #tpu.memory_space<hbm>>) dst(%arg11 : memref<64x128xf32, #tpu.memory_space<vmem>>)
      tpu.yield
    }) : () -> ()
    %mul3A_9 = arith.constant 632 : i32
    %mul3A_10 = arith.muli %arg1, %mul3A_9 : i32
    %add3A_11 = arith.constant 0 : i32
    %add3A_12 = arith.addi %mul3A_10, %add3A_11 : i32
    "tpu.region"() ({
      %run_scoped3A_128 = tpu.sem_alloc : memref<!tpu.dma_semaphore, #tpu.memory_space<semaphore_mem>>
      %dma_start3A_129 = arith.constant 0 : i32
      %dma_start3A_130 = tpu.memref_slice %arg15[%add3A_12, %dma_start3A_129] : memref<10112x128xf32, #tpu.memory_space<vmem_shared>> -> memref<64x128xf32, #tpu.memory_space<vmem_shared>>
      %dma_start3A_131 = arith.constant 0 : i32
      %dma_start3A_132 = tpu.memref_slice %arg15[%add3A_12, %dma_start3A_131] : memref<10112x128xf32, #tpu.memory_space<vmem_shared>> -> memref<64x128xf32, #tpu.memory_space<vmem_shared>>
      tpu.enqueue_dma source(%arg11 : memref<64x128xf32, #tpu.memory_space<vmem>>) target(%dma_start3A_132 : memref<64x128xf32, #tpu.memory_space<vmem_shared>>) target_semaphore(%run_scoped3A_128 : memref<!tpu.dma_semaphore, #tpu.memory_space<semaphore_mem>>)
      %dma_wait3A_133 = arith.constant 0 : i32
      %dma_wait3A_134 = tpu.memref_slice %arg15[%add3A_12, %dma_wait3A_133] : memref<10112x128xf32, #tpu.memory_space<vmem_shared>> -> memref<64x128xf32, #tpu.memory_space<vmem_shared>>
      %dma_wait3A_135 = arith.constant 0 : i32
      %dma_wait3A_136 = tpu.memref_slice %arg15[%add3A_12, %dma_wait3A_135] : memref<10112x128xf32, #tpu.memory_space<vmem_shared>> -> memref<64x128xf32, #tpu.memory_space<vmem_shared>>
      tpu.wait_dma2 semaphore(%run_scoped3A_128 : memref<!tpu.dma_semaphore, #tpu.memory_space<semaphore_mem>>) src(%arg11 : memref<64x128xf32, #tpu.memory_space<vmem>>) dst(%dma_wait3A_136 : memref<64x128xf32, #tpu.memory_space<vmem_shared>>)
      tpu.yield
    }) : () -> ()
    %mul3A_13 = arith.constant 632 : i32
    %mul3A_14 = arith.muli %arg1, %mul3A_13 : i32
    %add3A_15 = arith.constant 64 : i32
    %add3A_16 = arith.addi %mul3A_14, %add3A_15 : i32
    "tpu.region"() ({
      %run_scoped3A_128 = tpu.sem_alloc : memref<!tpu.dma_semaphore, #tpu.memory_space<semaphore_mem>>
      %dma_start3A_129 = arith.constant 0 : i32
      %dma_start3A_130 = tpu.memref_slice %arg15[%add3A_16, %dma_start3A_129] : memref<10112x128xf32, #tpu.memory_space<vmem_shared>> -> memref<64x128xf32, #tpu.memory_space<vmem_shared>>
      %dma_start3A_131 = arith.constant 0 : i32
      %dma_start3A_132 = tpu.memref_slice %arg15[%add3A_16, %dma_start3A_131] : memref<10112x128xf32, #tpu.memory_space<vmem_shared>> -> memref<64x128xf32, #tpu.memory_space<vmem_shared>>
      tpu.enqueue_dma source(%arg11 : memref<64x128xf32, #tpu.memory_space<vmem>>) target(%dma_start3A_132 : memref<64x128xf32, #tpu.memory_space<vmem_shared>>) target_semaphore(%run_scoped3A_128 : memref<!tpu.dma_semaphore, #tpu.memory_space<semaphore_mem>>)
      %dma_wait3A_133 = arith.constant 0 : i32
      %dma_wait3A_134 = tpu.memref_slice %arg15[%add3A_16, %dma_wait3A_133] : memref<10112x128xf32, #tpu.memory_space<vmem_shared>> -> memref<64x128xf32, #tpu.memory_space<vmem_shared>>
      %dma_wait3A_135 = arith.constant 0 : i32
      %dma_wait3A_136 = tpu.memref_slice %arg15[%add3A_16, %dma_wait3A_135] : memref<10112x128xf32, #tpu.memory_space<vmem_shared>> -> memref<64x128xf32, #tpu.memory_space<vmem_shared>>
      tpu.wait_dma2 semaphore(%run_scoped3A_128 : memref<!tpu.dma_semaphore, #tpu.memory_space<semaphore_mem>>) src(%arg11 : memref<64x128xf32, #tpu.memory_space<vmem>>) dst(%dma_wait3A_136 : memref<64x128xf32, #tpu.memory_space<vmem_shared>>)
      tpu.yield
    }) : () -> ()
    %mul3A_17 = arith.constant 632 : i32
    %mul3A_18 = arith.muli %arg1, %mul3A_17 : i32
    %add3A_19 = arith.constant 128 : i32
    %add3A_20 = arith.addi %mul3A_18, %add3A_19 : i32
    "tpu.region"() ({
      %run_scoped3A_128 = tpu.sem_alloc : memref<!tpu.dma_semaphore, #tpu.memory_space<semaphore_mem>>
      %dma_start3A_129 = arith.constant 0 : i32
      %dma_start3A_130 = tpu.memref_slice %arg15[%add3A_20, %dma_start3A_129] : memref<10112x128xf32, #tpu.memory_space<vmem_shared>> -> memref<64x128xf32, #tpu.memory_space<vmem_shared>>
      %dma_start3A_131 = arith.constant 0 : i32
      %dma_start3A_132 = tpu.memref_slice %arg15[%add3A_20, %dma_start3A_131] : memref<10112x128xf32, #tpu.memory_space<vmem_shared>> -> memref<64x128xf32, #tpu.memory_space<vmem_shared>>
      tpu.enqueue_dma source(%arg11 : memref<64x128xf32, #tpu.memory_space<vmem>>) target(%dma_start3A_132 : memref<64x128xf32, #tpu.memory_space<vmem_shared>>) target_semaphore(%run_scoped3A_128 : memref<!tpu.dma_semaphore, #tpu.memory_space<semaphore_mem>>)
      %dma_wait3A_133 = arith.constant 0 : i32
      %dma_wait3A_134 = tpu.memref_slice %arg15[%add3A_20, %dma_wait3A_133] : memref<10112x128xf32, #tpu.memory_space<vmem_shared>> -> memref<64x128xf32, #tpu.memory_space<vmem_shared>>
      %dma_wait3A_135 = arith.constant 0 : i32
      %dma_wait3A_136 = tpu.memref_slice %arg15[%add3A_20, %dma_wait3A_135] : memref<10112x128xf32, #tpu.memory_space<vmem_shared>> -> memref<64x128xf32, #tpu.memory_space<vmem_shared>>
      tpu.wait_dma2 semaphore(%run_scoped3A_128 : memref<!tpu.dma_semaphore, #tpu.memory_space<semaphore_mem>>) src(%arg11 : memref<64x128xf32, #tpu.memory_space<vmem>>) dst(%dma_wait3A_136 : memref<64x128xf32, #tpu.memory_space<vmem_shared>>)
      tpu.yield
    }) : () -> ()
    %mul3A_21 = arith.constant 632 : i32
    %mul3A_22 = arith.muli %arg1, %mul3A_21 : i32
    %add3A_23 = arith.constant 192 : i32
    %add3A_24 = arith.addi %mul3A_22, %add3A_23 : i32
    "tpu.region"() ({
      %run_scoped3A_128 = tpu.sem_alloc : memref<!tpu.dma_semaphore, #tpu.memory_space<semaphore_mem>>
      %dma_start3A_129 = arith.constant 0 : i32
      %dma_start3A_130 = tpu.memref_slice %arg15[%add3A_24, %dma_start3A_129] : memref<10112x128xf32, #tpu.memory_space<vmem_shared>> -> memref<64x128xf32, #tpu.memory_space<vmem_shared>>
      %dma_start3A_131 = arith.constant 0 : i32
      %dma_start3A_132 = tpu.memref_slice %arg15[%add3A_24, %dma_start3A_131] : memref<10112x128xf32, #tpu.memory_space<vmem_shared>> -> memref<64x128xf32, #tpu.memory_space<vmem_shared>>
      tpu.enqueue_dma source(%arg11 : memref<64x128xf32, #tpu.memory_space<vmem>>) target(%dma_start3A_132 : memref<64x128xf32, #tpu.memory_space<vmem_shared>>) target_semaphore(%run_scoped3A_128 : memref<!tpu.dma_semaphore, #tpu.memory_space<semaphore_mem>>)
      %dma_wait3A_133 = arith.constant 0 : i32
      %dma_wait3A_134 = tpu.memref_slice %arg15[%add3A_24, %dma_wait3A_133] : memref<10112x128xf32, #tpu.memory_space<vmem_shared>> -> memref<64x128xf32, #tpu.memory_space<vmem_shared>>
      %dma_wait3A_135 = arith.constant 0 : i32
      %dma_wait3A_136 = tpu.memref_slice %arg15[%add3A_24, %dma_wait3A_135] : memref<10112x128xf32, #tpu.memory_space<vmem_shared>> -> memref<64x128xf32, #tpu.memory_space<vmem_shared>>
      tpu.wait_dma2 semaphore(%run_scoped3A_128 : memref<!tpu.dma_semaphore, #tpu.memory_space<semaphore_mem>>) src(%arg11 : memref<64x128xf32, #tpu.memory_space<vmem>>) dst(%dma_wait3A_136 : memref<64x128xf32, #tpu.memory_space<vmem_shared>>)
      tpu.yield
    }) : () -> ()
    %mul3A_25 = arith.constant 632 : i32
    %mul3A_26 = arith.muli %arg1, %mul3A_25 : i32
    %add3A_27 = arith.constant 256 : i32
    %add3A_28 = arith.addi %mul3A_26, %add3A_27 : i32
    "tpu.region"() ({
      %run_scoped3A_128 = tpu.sem_alloc : memref<!tpu.dma_semaphore, #tpu.memory_space<semaphore_mem>>
      %dma_start3A_129 = arith.constant 0 : i32
      %dma_start3A_130 = tpu.memref_slice %arg15[%add3A_28, %dma_start3A_129] : memref<10112x128xf32, #tpu.memory_space<vmem_shared>> -> memref<64x128xf32, #tpu.memory_space<vmem_shared>>
      %dma_start3A_131 = arith.constant 0 : i32
      %dma_start3A_132 = tpu.memref_slice %arg15[%add3A_28, %dma_start3A_131] : memref<10112x128xf32, #tpu.memory_space<vmem_shared>> -> memref<64x128xf32, #tpu.memory_space<vmem_shared>>
      tpu.enqueue_dma source(%arg11 : memref<64x128xf32, #tpu.memory_space<vmem>>) target(%dma_start3A_132 : memref<64x128xf32, #tpu.memory_space<vmem_shared>>) target_semaphore(%run_scoped3A_128 : memref<!tpu.dma_semaphore, #tpu.memory_space<semaphore_mem>>)
      %dma_wait3A_133 = arith.constant 0 : i32
      %dma_wait3A_134 = tpu.memref_slice %arg15[%add3A_28, %dma_wait3A_133] : memref<10112x128xf32, #tpu.memory_space<vmem_shared>> -> memref<64x128xf32, #tpu.memory_space<vmem_shared>>
      %dma_wait3A_135 = arith.constant 0 : i32
      %dma_wait3A_136 = tpu.memref_slice %arg15[%add3A_28, %dma_wait3A_135] : memref<10112x128xf32, #tpu.memory_space<vmem_shared>> -> memref<64x128xf32, #tpu.memory_space<vmem_shared>>
      tpu.wait_dma2 semaphore(%run_scoped3A_128 : memref<!tpu.dma_semaphore, #tpu.memory_space<semaphore_mem>>) src(%arg11 : memref<64x128xf32, #tpu.memory_space<vmem>>) dst(%dma_wait3A_136 : memref<64x128xf32, #tpu.memory_space<vmem_shared>>)
      tpu.yield
    }) : () -> ()
    %mul3A_29 = arith.constant 632 : i32
    %mul3A_30 = arith.muli %arg1, %mul3A_29 : i32
    %add3A_31 = arith.constant 320 : i32
    %add3A_32 = arith.addi %mul3A_30, %add3A_31 : i32
    "tpu.region"() ({
      %run_scoped3A_128 = tpu.sem_alloc : memref<!tpu.dma_semaphore, #tpu.memory_space<semaphore_mem>>
      %dma_start3A_129 = arith.constant 0 : i32
      %dma_start3A_130 = tpu.memref_slice %arg15[%add3A_32, %dma_start3A_129] : memref<10112x128xf32, #tpu.memory_space<vmem_shared>> -> memref<64x128xf32, #tpu.memory_space<vmem_shared>>
      %dma_start3A_131 = arith.constant 0 : i32
      %dma_start3A_132 = tpu.memref_slice %arg15[%add3A_32, %dma_start3A_131] : memref<10112x128xf32, #tpu.memory_space<vmem_shared>> -> memref<64x128xf32, #tpu.memory_space<vmem_shared>>
      tpu.enqueue_dma source(%arg11 : memref<64x128xf32, #tpu.memory_space<vmem>>) target(%dma_start3A_132 : memref<64x128xf32, #tpu.memory_space<vmem_shared>>) target_semaphore(%run_scoped3A_128 : memref<!tpu.dma_semaphore, #tpu.memory_space<semaphore_mem>>)
      %dma_wait3A_133 = arith.constant 0 : i32
      %dma_wait3A_134 = tpu.memref_slice %arg15[%add3A_32, %dma_wait3A_133] : memref<10112x128xf32, #tpu.memory_space<vmem_shared>> -> memref<64x128xf32, #tpu.memory_space<vmem_shared>>
      %dma_wait3A_135 = arith.constant 0 : i32
      %dma_wait3A_136 = tpu.memref_slice %arg15[%add3A_32, %dma_wait3A_135] : memref<10112x128xf32, #tpu.memory_space<vmem_shared>> -> memref<64x128xf32, #tpu.memory_space<vmem_shared>>
      tpu.wait_dma2 semaphore(%run_scoped3A_128 : memref<!tpu.dma_semaphore, #tpu.memory_space<semaphore_mem>>) src(%arg11 : memref<64x128xf32, #tpu.memory_space<vmem>>) dst(%dma_wait3A_136 : memref<64x128xf32, #tpu.memory_space<vmem_shared>>)
      tpu.yield
    }) : () -> ()
    %mul3A_33 = arith.constant 632 : i32
    %mul3A_34 = arith.muli %arg1, %mul3A_33 : i32
    %add3A_35 = arith.constant 384 : i32
    %add3A_36 = arith.addi %mul3A_34, %add3A_35 : i32
    "tpu.region"() ({
      %run_scoped3A_128 = tpu.sem_alloc : memref<!tpu.dma_semaphore, #tpu.memory_space<semaphore_mem>>
      %dma_start3A_129 = arith.constant 0 : i32
      %dma_start3A_130 = tpu.memref_slice %arg15[%add3A_36, %dma_start3A_129] : memref<10112x128xf32, #tpu.memory_space<vmem_shared>> -> memref<64x128xf32, #tpu.memory_space<vmem_shared>>
      %dma_start3A_131 = arith.constant 0 : i32
      %dma_start3A_132 = tpu.memref_slice %arg15[%add3A_36, %dma_start3A_131] : memref<10112x128xf32, #tpu.memory_space<vmem_shared>> -> memref<64x128xf32, #tpu.memory_space<vmem_shared>>
      tpu.enqueue_dma source(%arg11 : memref<64x128xf32, #tpu.memory_space<vmem>>) target(%dma_start3A_132 : memref<64x128xf32, #tpu.memory_space<vmem_shared>>) target_semaphore(%run_scoped3A_128 : memref<!tpu.dma_semaphore, #tpu.memory_space<semaphore_mem>>)
      %dma_wait3A_133 = arith.constant 0 : i32
      %dma_wait3A_134 = tpu.memref_slice %arg15[%add3A_36, %dma_wait3A_133] : memref<10112x128xf32, #tpu.memory_space<vmem_shared>> -> memref<64x128xf32, #tpu.memory_space<vmem_shared>>
      %dma_wait3A_135 = arith.constant 0 : i32
      %dma_wait3A_136 = tpu.memref_slice %arg15[%add3A_36, %dma_wait3A_135] : memref<10112x128xf32, #tpu.memory_space<vmem_shared>> -> memref<64x128xf32, #tpu.memory_space<vmem_shared>>
      tpu.wait_dma2 semaphore(%run_scoped3A_128 : memref<!tpu.dma_semaphore, #tpu.memory_space<semaphore_mem>>) src(%arg11 : memref<64x128xf32, #tpu.memory_space<vmem>>) dst(%dma_wait3A_136 : memref<64x128xf32, #tpu.memory_space<vmem_shared>>)
      tpu.yield
    }) : () -> ()
    %mul3A_37 = arith.constant 632 : i32
    %mul3A_38 = arith.muli %arg1, %mul3A_37 : i32
    %add3A_39 = arith.constant 448 : i32
    %add3A_40 = arith.addi %mul3A_38, %add3A_39 : i32
    "tpu.region"() ({
      %run_scoped3A_128 = tpu.sem_alloc : memref<!tpu.dma_semaphore, #tpu.memory_space<semaphore_mem>>
      %dma_start3A_129 = arith.constant 0 : i32
      %dma_start3A_130 = tpu.memref_slice %arg15[%add3A_40, %dma_start3A_129] : memref<10112x128xf32, #tpu.memory_space<vmem_shared>> -> memref<64x128xf32, #tpu.memory_space<vmem_shared>>
      %dma_start3A_131 = arith.constant 0 : i32
      %dma_start3A_132 = tpu.memref_slice %arg15[%add3A_40, %dma_start3A_131] : memref<10112x128xf32, #tpu.memory_space<vmem_shared>> -> memref<64x128xf32, #tpu.memory_space<vmem_shared>>
      tpu.enqueue_dma source(%arg11 : memref<64x128xf32, #tpu.memory_space<vmem>>) target(%dma_start3A_132 : memref<64x128xf32, #tpu.memory_space<vmem_shared>>) target_semaphore(%run_scoped3A_128 : memref<!tpu.dma_semaphore, #tpu.memory_space<semaphore_mem>>)
      %dma_wait3A_133 = arith.constant 0 : i32
      %dma_wait3A_134 = tpu.memref_slice %arg15[%add3A_40, %dma_wait3A_133] : memref<10112x128xf32, #tpu.memory_space<vmem_shared>> -> memref<64x128xf32, #tpu.memory_space<vmem_shared>>
      %dma_wait3A_135 = arith.constant 0 : i32
      %dma_wait3A_136 = tpu.memref_slice %arg15[%add3A_40, %dma_wait3A_135] : memref<10112x128xf32, #tpu.memory_space<vmem_shared>> -> memref<64x128xf32, #tpu.memory_space<vmem_shared>>
      tpu.wait_dma2 semaphore(%run_scoped3A_128 : memref<!tpu.dma_semaphore, #tpu.memory_space<semaphore_mem>>) src(%arg11 : memref<64x128xf32, #tpu.memory_space<vmem>>) dst(%dma_wait3A_136 : memref<64x128xf32, #tpu.memory_space<vmem_shared>>)
      tpu.yield
    }) : () -> ()
    %mul3A_41 = arith.constant 632 : i32
    %mul3A_42 = arith.muli %arg1, %mul3A_41 : i32
    %add3A_43 = arith.constant 512 : i32
    %add3A_44 = arith.addi %mul3A_42, %add3A_43 : i32
    "tpu.region"() ({
      %run_scoped3A_128 = tpu.sem_alloc : memref<!tpu.dma_semaphore, #tpu.memory_space<semaphore_mem>>
      %dma_start3A_129 = arith.constant 0 : i32
      %dma_start3A_130 = tpu.memref_slice %arg15[%add3A_44, %dma_start3A_129] : memref<10112x128xf32, #tpu.memory_space<vmem_shared>> -> memref<64x128xf32, #tpu.memory_space<vmem_shared>>
      %dma_start3A_131 = arith.constant 0 : i32
      %dma_start3A_132 = tpu.memref_slice %arg15[%add3A_44, %dma_start3A_131] : memref<10112x128xf32, #tpu.memory_space<vmem_shared>> -> memref<64x128xf32, #tpu.memory_space<vmem_shared>>
      tpu.enqueue_dma source(%arg11 : memref<64x128xf32, #tpu.memory_space<vmem>>) target(%dma_start3A_132 : memref<64x128xf32, #tpu.memory_space<vmem_shared>>) target_semaphore(%run_scoped3A_128 : memref<!tpu.dma_semaphore, #tpu.memory_space<semaphore_mem>>)
      %dma_wait3A_133 = arith.constant 0 : i32
      %dma_wait3A_134 = tpu.memref_slice %arg15[%add3A_44, %dma_wait3A_133] : memref<10112x128xf32, #tpu.memory_space<vmem_shared>> -> memref<64x128xf32, #tpu.memory_space<vmem_shared>>
      %dma_wait3A_135 = arith.constant 0 : i32
      %dma_wait3A_136 = tpu.memref_slice %arg15[%add3A_44, %dma_wait3A_135] : memref<10112x128xf32, #tpu.memory_space<vmem_shared>> -> memref<64x128xf32, #tpu.memory_space<vmem_shared>>
      tpu.wait_dma2 semaphore(%run_scoped3A_128 : memref<!tpu.dma_semaphore, #tpu.memory_space<semaphore_mem>>) src(%arg11 : memref<64x128xf32, #tpu.memory_space<vmem>>) dst(%dma_wait3A_136 : memref<64x128xf32, #tpu.memory_space<vmem_shared>>)
      tpu.yield
    }) : () -> ()
    %mul3A_45 = arith.constant 632 : i32
    %mul3A_46 = arith.muli %arg1, %mul3A_45 : i32
    %add3A_47 = arith.constant 576 : i32
    %add3A_48 = arith.addi %mul3A_46, %add3A_47 : i32
    "tpu.region"() ({
      %run_scoped3A_128 = tpu.sem_alloc : memref<!tpu.dma_semaphore, #tpu.memory_space<semaphore_mem>>
      %dma_start3A_129 = arith.constant 0 : i32
      %dma_start3A_130 = arith.constant 0 : i32
      %dma_start3A_131 = tpu.memref_slice %arg11[%dma_start3A_129, %dma_start3A_130] : memref<64x128xf32, #tpu.memory_space<vmem>> -> memref<56x128xf32, #tpu.memory_space<vmem>>
      %dma_start3A_132 = arith.constant 0 : i32
      %dma_start3A_133 = tpu.memref_slice %arg15[%add3A_48, %dma_start3A_132] : memref<10112x128xf32, #tpu.memory_space<vmem_shared>> -> memref<56x128xf32, #tpu.memory_space<vmem_shared>>
      %dma_start3A_134 = arith.constant 0 : i32
      %dma_start3A_135 = tpu.memref_slice %arg15[%add3A_48, %dma_start3A_134] : memref<10112x128xf32, #tpu.memory_space<vmem_shared>> -> memref<56x128xf32, #tpu.memory_space<vmem_shared>>
      %dma_start3A_136 = arith.constant 0 : i32
      %dma_start3A_137 = arith.constant 0 : i32
      %dma_start3A_138 = tpu.memref_slice %arg11[%dma_start3A_136, %dma_start3A_137] : memref<64x128xf32, #tpu.memory_space<vmem>> -> memref<56x128xf32, #tpu.memory_space<vmem>>
      tpu.enqueue_dma source(%dma_start3A_138 : memref<56x128xf32, #tpu.memory_space<vmem>>) target(%dma_start3A_135 : memref<56x128xf32, #tpu.memory_space<vmem_shared>>) target_semaphore(%run_scoped3A_128 : memref<!tpu.dma_semaphore, #tpu.memory_space<semaphore_mem>>)
      %dma_wait3A_139 = arith.constant 0 : i32
      %dma_wait3A_140 = arith.constant 0 : i32
      %dma_wait3A_141 = tpu.memref_slice %arg11[%dma_wait3A_139, %dma_wait3A_140] : memref<64x128xf32, #tpu.memory_space<vmem>> -> memref<56x128xf32, #tpu.memory_space<vmem>>
      %dma_wait3A_142 = arith.constant 0 : i32
      %dma_wait3A_143 = tpu.memref_slice %arg15[%add3A_48, %dma_wait3A_142] : memref<10112x128xf32, #tpu.memory_space<vmem_shared>> -> memref<56x128xf32, #tpu.memory_space<vmem_shared>>
      %dma_wait3A_144 = arith.constant 0 : i32
      %dma_wait3A_145 = tpu.memref_slice %arg15[%add3A_48, %dma_wait3A_144] : memref<10112x128xf32, #tpu.memory_space<vmem_shared>> -> memref<56x128xf32, #tpu.memory_space<vmem_shared>>
      %dma_wait3A_146 = arith.constant 0 : i32
      %dma_wait3A_147 = arith.constant 0 : i32
      %dma_wait3A_148 = tpu.memref_slice %arg11[%dma_wait3A_146, %dma_wait3A_147] : memref<64x128xf32, #tpu.memory_space<vmem>> -> memref<56x128xf32, #tpu.memory_space<vmem>>
      tpu.wait_dma2 semaphore(%run_scoped3A_128 : memref<!tpu.dma_semaphore, #tpu.memory_space<semaphore_mem>>) src(%dma_wait3A_148 : memref<56x128xf32, #tpu.memory_space<vmem>>) dst(%dma_wait3A_145 : memref<56x128xf32, #tpu.memory_space<vmem_shared>>)
      tpu.yield
    }) : () -> ()
    %barrier3A = arith.constant 0 : index
    tpu.barrier barrier_id(%barrier3A)
    %run_scoped3A = arith.constant 0 : i32
    "tpu.region"() ({
      %run_scoped3A_128 = tpu.sem_alloc : memref<!tpu.dma_semaphore, #tpu.memory_space<semaphore_mem>>
      %dma_start3A_129 = arith.constant 0 : i32
      %dma_start3A_130 = arith.constant 0 : i32
      %dma_start3A_131 = arith.constant 0 : i32
      %dma_start3A_132 = tpu.memref_slice %arg3[%add3A, %run_scoped3A, %dma_start3A_129, %dma_start3A_130, %dma_start3A_131] : memref<32x79x2x2x64xi32, #tpu.memory_space<hbm>> -> memref<1x1x2x2x64xi32, #tpu.memory_space<hbm>>
      %dma_start3A_133 = tpu.memref_squeeze %dma_start3A_132 : memref<1x1x2x2x64xi32, #tpu.memory_space<hbm>> -> memref<2x2x64xi32, #tpu.memory_space<hbm>>
      %dma_start3A_134 = arith.constant 0 : i32
      %dma_start3A_135 = arith.constant 0 : i32
      %dma_start3A_136 = arith.constant 0 : i32
      %dma_start3A_137 = tpu.memref_slice %arg3[%add3A, %run_scoped3A, %dma_start3A_134, %dma_start3A_135, %dma_start3A_136] : memref<32x79x2x2x64xi32, #tpu.memory_space<hbm>> -> memref<1x1x2x2x64xi32, #tpu.memory_space<hbm>>
      %dma_start3A_138 = tpu.memref_squeeze %dma_start3A_137 : memref<1x1x2x2x64xi32, #tpu.memory_space<hbm>> -> memref<2x2x64xi32, #tpu.memory_space<hbm>>
      tpu.enqueue_dma source(%dma_start3A_138 : memref<2x2x64xi32, #tpu.memory_space<hbm>>) target(%arg8 : memref<2x2x64xi32, #tpu.memory_space<vmem>>) target_semaphore(%run_scoped3A_128 : memref<!tpu.dma_semaphore, #tpu.memory_space<semaphore_mem>>)
      %dma_wait3A_139 = arith.constant 0 : i32
      %dma_wait3A_140 = arith.constant 0 : i32
      %dma_wait3A_141 = arith.constant 0 : i32
      %dma_wait3A_142 = tpu.memref_slice %arg3[%add3A, %run_scoped3A, %dma_wait3A_139, %dma_wait3A_140, %dma_wait3A_141] : memref<32x79x2x2x64xi32, #tpu.memory_space<hbm>> -> memref<1x1x2x2x64xi32, #tpu.memory_space<hbm>>
      %dma_wait3A_143 = tpu.memref_squeeze %dma_wait3A_142 : memref<1x1x2x2x64xi32, #tpu.memory_space<hbm>> -> memref<2x2x64xi32, #tpu.memory_space<hbm>>
      %dma_wait3A_144 = arith.constant 0 : i32
      %dma_wait3A_145 = arith.constant 0 : i32
      %dma_wait3A_146 = arith.constant 0 : i32
      %dma_wait3A_147 = tpu.memref_slice %arg3[%add3A, %run_scoped3A, %dma_wait3A_144, %dma_wait3A_145, %dma_wait3A_146] : memref<32x79x2x2x64xi32, #tpu.memory_space<hbm>> -> memref<1x1x2x2x64xi32, #tpu.memory_space<hbm>>
      %dma_wait3A_148 = tpu.memref_squeeze %dma_wait3A_147 : memref<1x1x2x2x64xi32, #tpu.memory_space<hbm>> -> memref<2x2x64xi32, #tpu.memory_space<hbm>>
      tpu.wait_dma2 semaphore(%run_scoped3A_128 : memref<!tpu.dma_semaphore, #tpu.memory_space<semaphore_mem>>) src(%dma_wait3A_148 : memref<2x2x64xi32, #tpu.memory_space<hbm>>) dst(%arg8 : memref<2x2x64xi32, #tpu.memory_space<vmem>>)
      tpu.yield
    }) : () -> ()
    %dma_start3A = arith.constant 0 : i32
    %dma_start3A_49 = arith.constant 0 : i32
    %dma_start3A_50 = arith.constant 0 : i32
    %dma_start3A_51 = tpu.memref_slice %arg8[%dma_start3A, %dma_start3A_49, %dma_start3A_50] : memref<2x2x64xi32, #tpu.memory_space<vmem>> -> memref<1x1x64xi32, #tpu.memory_space<vmem>>
    %dma_start3A_52 = tpu.memref_squeeze %dma_start3A_51 : memref<1x1x64xi32, #tpu.memory_space<vmem>> -> memref<64xi32, #tpu.memory_space<vmem>>
    %dma_start3A_53 = arith.constant 0 : i32
    %dma_start3A_54 = arith.constant 0 : i32
    %dma_start3A_55 = tpu.memref_slice %arg2[%dma_start3A_53, %dma_start3A_54] : memref<10000x128xf32, #tpu.memory_space<hbm>> -> memref<10000x128xf32, #tpu.memory_space<hbm>>
    tpu.enqueue_indirect_dma source(%dma_start3A_55 : memref<10000x128xf32, #tpu.memory_space<hbm>>) target(%arg11 : memref<64x128xf32, #tpu.memory_space<vmem>>) offsets(%dma_start3A_52 : memref<64xi32, #tpu.memory_space<vmem>>) semaphore(%arg16 : memref<!tpu.dma_semaphore, #tpu.memory_space<semaphore_mem>>)
    %scan3A_56 = arith.constant 0 : i32
    %scan3A_57 = arith.constant 0 : i32
    %scan3A_58 = arith.constant 39 : i32
    %scan3A_59 = arith.addi %scan3A_57, %scan3A_58 : i32
    %scan3A_60 = arith.constant 1 : i32
    scf.for %scan3A_128 = %scan3A_57 to %scan3A_59 step %scan3A_60  : i32 {
      %mul3A_129 = arith.constant 2 : i32
      %mul3A_130 = arith.muli %mul3A_129, %scan3A_128 : i32
      %add3A_131 = arith.constant 1 : i32
      %add3A_132 = arith.addi %mul3A_130, %add3A_131 : i32
      %dma_start3A_133 = arith.constant 0 : i32
      %dma_start3A_134 = arith.constant 0 : i32
      %dma_start3A_135 = arith.constant 0 : i32
      %dma_start3A_136 = tpu.memref_slice %arg3[%add3A, %add3A_132, %dma_start3A_133, %dma_start3A_134, %dma_start3A_135] : memref<32x79x2x2x64xi32, #tpu.memory_space<hbm>> -> memref<1x1x2x2x64xi32, #tpu.memory_space<hbm>>
      %dma_start3A_137 = tpu.memref_squeeze %dma_start3A_136 : memref<1x1x2x2x64xi32, #tpu.memory_space<hbm>> -> memref<2x2x64xi32, #tpu.memory_space<hbm>>
      %dma_start3A_138 = arith.constant 0 : i32
      %dma_start3A_139 = arith.constant 0 : i32
      %dma_start3A_140 = arith.constant 0 : i32
      %dma_start3A_141 = tpu.memref_slice %arg3[%add3A, %add3A_132, %dma_start3A_138, %dma_start3A_139, %dma_start3A_140] : memref<32x79x2x2x64xi32, #tpu.memory_space<hbm>> -> memref<1x1x2x2x64xi32, #tpu.memory_space<hbm>>
      %dma_start3A_142 = tpu.memref_squeeze %dma_start3A_141 : memref<1x1x2x2x64xi32, #tpu.memory_space<hbm>> -> memref<2x2x64xi32, #tpu.memory_space<hbm>>
      tpu.enqueue_dma source(%dma_start3A_142 : memref<2x2x64xi32, #tpu.memory_space<hbm>>) target(%arg9 : memref<2x2x64xi32, #tpu.memory_space<vmem>>) target_semaphore(%arg18 : memref<!tpu.dma_semaphore, #tpu.memory_space<semaphore_mem>>)
      %dma_wait3A_143 = arith.constant 0 : i32
      %dma_wait3A_144 = arith.constant 0 : i32
      %dma_wait3A_145 = arith.constant 0 : i32
      %dma_wait3A_146 = tpu.memref_slice %arg8[%dma_wait3A_143, %dma_wait3A_144, %dma_wait3A_145] : memref<2x2x64xi32, #tpu.memory_space<vmem>> -> memref<1x1x64xi32, #tpu.memory_space<vmem>>
      %dma_wait3A_147 = tpu.memref_squeeze %dma_wait3A_146 : memref<1x1x64xi32, #tpu.memory_space<vmem>> -> memref<64xi32, #tpu.memory_space<vmem>>
      %dma_wait3A_148 = arith.constant 0 : i32
      %dma_wait3A_149 = arith.constant 0 : i32
      %dma_wait3A_150 = tpu.memref_slice %arg2[%dma_wait3A_148, %dma_wait3A_149] : memref<10000x128xf32, #tpu.memory_space<hbm>> -> memref<10000x128xf32, #tpu.memory_space<hbm>>
      tpu.wait_indirect_dma semaphore(%arg16 : memref<!tpu.dma_semaphore, #tpu.memory_space<semaphore_mem>>) src(%dma_wait3A_150 : memref<10000x128xf32, #tpu.memory_space<hbm>>) dst(%arg11 : memref<64x128xf32, #tpu.memory_space<vmem>>)
      %dma_start3A_151 = arith.constant 0 : i32
      %dma_start3A_152 = arith.constant 1 : i32
      %dma_start3A_153 = arith.constant 0 : i32
      %dma_start3A_154 = tpu.memref_slice %arg8[%dma_start3A_151, %dma_start3A_152, %dma_start3A_153] : memref<2x2x64xi32, #tpu.memory_space<vmem>> -> memref<1x1x64xi32, #tpu.memory_space<vmem>>
      %dma_start3A_155 = tpu.memref_squeeze %dma_start3A_154 : memref<1x1x64xi32, #tpu.memory_space<vmem>> -> memref<64xi32, #tpu.memory_space<vmem>>
      %dma_start3A_156 = arith.constant 0 : i32
      %dma_start3A_157 = arith.constant 0 : i32
      %dma_start3A_158 = tpu.memref_slice %arg2[%dma_start3A_156, %dma_start3A_157] : memref<10000x128xf32, #tpu.memory_space<hbm>> -> memref<10000x128xf32, #tpu.memory_space<hbm>>
      tpu.enqueue_indirect_dma source(%dma_start3A_158 : memref<10000x128xf32, #tpu.memory_space<hbm>>) target(%arg12 : memref<64x128xf32, #tpu.memory_space<vmem>>) offsets(%dma_start3A_155 : memref<64xi32, #tpu.memory_space<vmem>>) semaphore(%arg17 : memref<!tpu.dma_semaphore, #tpu.memory_space<semaphore_mem>>)
      %run_scoped3A_159 = arith.constant 1 : i32
      %run_scoped3A_160 = arith.constant 0 : i32
      "tpu.region"() ({
        %run_scoped3A_347 = tpu.sem_alloc : memref<!tpu.dma_semaphore, #tpu.memory_space<semaphore_mem>>
        %dma_start3A_348 = arith.constant 0 : i32
        %dma_start3A_349 = tpu.memref_slice %arg8[%run_scoped3A_159, %run_scoped3A_160, %dma_start3A_348] : memref<2x2x64xi32, #tpu.memory_space<vmem>> -> memref<1x1x64xi32, #tpu.memory_space<vmem>>
        %dma_start3A_350 = tpu.memref_squeeze %dma_start3A_349 : memref<1x1x64xi32, #tpu.memory_space<vmem>> -> memref<64xi32, #tpu.memory_space<vmem>>
        %dma_start3A_351 = arith.constant 0 : i32
        %dma_start3A_352 = arith.constant 0 : i32
        %dma_start3A_353 = tpu.memref_slice %arg15[%dma_start3A_351, %dma_start3A_352] : memref<10112x128xf32, #tpu.memory_space<vmem_shared>> -> memref<10112x128xf32, #tpu.memory_space<vmem_shared>>
        tpu.enqueue_indirect_dma source(%arg11 : memref<64x128xf32, #tpu.memory_space<vmem>>) target(%dma_start3A_353 : memref<10112x128xf32, #tpu.memory_space<vmem_shared>>) offsets(%dma_start3A_350 : memref<64xi32, #tpu.memory_space<vmem>>) semaphore(%run_scoped3A_347 : memref<!tpu.dma_semaphore, #tpu.memory_space<semaphore_mem>>) {add = true}
        %dma_wait3A_354 = arith.constant 0 : i32
        %dma_wait3A_355 = tpu.memref_slice %arg8[%run_scoped3A_159, %run_scoped3A_160, %dma_wait3A_354] : memref<2x2x64xi32, #tpu.memory_space<vmem>> -> memref<1x1x64xi32, #tpu.memory_space<vmem>>
        %dma_wait3A_356 = tpu.memref_squeeze %dma_wait3A_355 : memref<1x1x64xi32, #tpu.memory_space<vmem>> -> memref<64xi32, #tpu.memory_space<vmem>>
        %dma_wait3A_357 = arith.constant 0 : i32
        %dma_wait3A_358 = arith.constant 0 : i32
        %dma_wait3A_359 = tpu.memref_slice %arg15[%dma_wait3A_357, %dma_wait3A_358] : memref<10112x128xf32, #tpu.memory_space<vmem_shared>> -> memref<10112x128xf32, #tpu.memory_space<vmem_shared>>
        tpu.wait_indirect_dma semaphore(%run_scoped3A_347 : memref<!tpu.dma_semaphore, #tpu.memory_space<semaphore_mem>>) src(%arg11 : memref<64x128xf32, #tpu.memory_space<vmem>>) dst(%dma_wait3A_359 : memref<10112x128xf32, #tpu.memory_space<vmem_shared>>)
        tpu.yield
      }) : () -> ()
      %get3A_161 = arith.constant 1 : i32
      %get3A_162 = arith.constant 0 : i32
      %get3A_163 = arith.index_cast %get3A_161 : i32 to index
      %get3A_164 = arith.index_cast %get3A_162 : i32 to index
      %get3A_165 = arith.constant 0 : index
      %get3A_166 = tpu.vector_load %arg8[%get3A_163, %get3A_164, %get3A_165] {strides = array<i32>} : memref<2x2x64xi32, #tpu.memory_space<vmem>>, vector<16xi32>,
      tpu.vector_store_idx %arg14[%get3A_166], %broadcast_in_dim3A_3 {add = true} : memref<10112xf32, #tpu.memory_space<vmem>>[vector<16xi32>], vector<16xf32>,
      %get3A_167 = arith.constant 1 : i32
      %get3A_168 = arith.constant 0 : i32
      %get3A_169 = arith.index_cast %get3A_167 : i32 to index
      %get3A_170 = arith.index_cast %get3A_168 : i32 to index
      %get3A_171 = arith.constant 16 : index
      %get3A_172 = tpu.vector_load %arg8[%get3A_169, %get3A_170, %get3A_171] {strides = array<i32>} : memref<2x2x64xi32, #tpu.memory_space<vmem>>, vector<16xi32>,
      tpu.vector_store_idx %arg14[%get3A_172], %broadcast_in_dim3A_3 {add = true} : memref<10112xf32, #tpu.memory_space<vmem>>[vector<16xi32>], vector<16xf32>,
      %get3A_173 = arith.constant 1 : i32
      %get3A_174 = arith.constant 0 : i32
      %get3A_175 = arith.index_cast %get3A_173 : i32 to index
      %get3A_176 = arith.index_cast %get3A_174 : i32 to index
      %get3A_177 = arith.constant 32 : index
      %get3A_178 = tpu.vector_load %arg8[%get3A_175, %get3A_176, %get3A_177] {strides = array<i32>} : memref<2x2x64xi32, #tpu.memory_space<vmem>>, vector<16xi32>,
      tpu.vector_store_idx %arg14[%get3A_178], %broadcast_in_dim3A_3 {add = true} : memref<10112xf32, #tpu.memory_space<vmem>>[vector<16xi32>], vector<16xf32>,
      %get3A_179 = arith.constant 1 : i32
      %get3A_180 = arith.constant 0 : i32
      %get3A_181 = arith.index_cast %get3A_179 : i32 to index
      %get3A_182 = arith.index_cast %get3A_180 : i32 to index
      %get3A_183 = arith.constant 48 : index
      %get3A_184 = tpu.vector_load %arg8[%get3A_181, %get3A_182, %get3A_183] {strides = array<i32>} : memref<2x2x64xi32, #tpu.memory_space<vmem>>, vector<16xi32>,
      tpu.vector_store_idx %arg14[%get3A_184], %broadcast_in_dim3A_3 {add = true} : memref<10112xf32, #tpu.memory_space<vmem>>[vector<16xi32>], vector<16xf32>,
      %dma_wait3A_185 = arith.constant 0 : i32
      %dma_wait3A_186 = arith.constant 0 : i32
      %dma_wait3A_187 = arith.constant 0 : i32
      %dma_wait3A_188 = tpu.memref_slice %arg3[%add3A, %add3A_132, %dma_wait3A_185, %dma_wait3A_186, %dma_wait3A_187] : memref<32x79x2x2x64xi32, #tpu.memory_space<hbm>> -> memref<1x1x2x2x64xi32, #tpu.memory_space<hbm>>
      %dma_wait3A_189 = tpu.memref_squeeze %dma_wait3A_188 : memref<1x1x2x2x64xi32, #tpu.memory_space<hbm>> -> memref<2x2x64xi32, #tpu.memory_space<hbm>>
      %dma_wait3A_190 = arith.constant 0 : i32
      %dma_wait3A_191 = arith.constant 0 : i32
      %dma_wait3A_192 = arith.constant 0 : i32
      %dma_wait3A_193 = tpu.memref_slice %arg3[%add3A, %add3A_132, %dma_wait3A_190, %dma_wait3A_191, %dma_wait3A_192] : memref<32x79x2x2x64xi32, #tpu.memory_space<hbm>> -> memref<1x1x2x2x64xi32, #tpu.memory_space<hbm>>
      %dma_wait3A_194 = tpu.memref_squeeze %dma_wait3A_193 : memref<1x1x2x2x64xi32, #tpu.memory_space<hbm>> -> memref<2x2x64xi32, #tpu.memory_space<hbm>>
      tpu.wait_dma2 semaphore(%arg18 : memref<!tpu.dma_semaphore, #tpu.memory_space<semaphore_mem>>) src(%dma_wait3A_194 : memref<2x2x64xi32, #tpu.memory_space<hbm>>) dst(%arg9 : memref<2x2x64xi32, #tpu.memory_space<vmem>>)
      %dma_start3A_195 = arith.constant 0 : i32
      %dma_start3A_196 = arith.constant 0 : i32
      %dma_start3A_197 = arith.constant 0 : i32
      %dma_start3A_198 = tpu.memref_slice %arg9[%dma_start3A_195, %dma_start3A_196, %dma_start3A_197] : memref<2x2x64xi32, #tpu.memory_space<vmem>> -> memref<1x1x64xi32, #tpu.memory_space<vmem>>
      %dma_start3A_199 = tpu.memref_squeeze %dma_start3A_198 : memref<1x1x64xi32, #tpu.memory_space<vmem>> -> memref<64xi32, #tpu.memory_space<vmem>>
      %dma_start3A_200 = arith.constant 0 : i32
      %dma_start3A_201 = arith.constant 0 : i32
      %dma_start3A_202 = tpu.memref_slice %arg2[%dma_start3A_200, %dma_start3A_201] : memref<10000x128xf32, #tpu.memory_space<hbm>> -> memref<10000x128xf32, #tpu.memory_space<hbm>>
      tpu.enqueue_indirect_dma source(%dma_start3A_202 : memref<10000x128xf32, #tpu.memory_space<hbm>>) target(%arg11 : memref<64x128xf32, #tpu.memory_space<vmem>>) offsets(%dma_start3A_199 : memref<64xi32, #tpu.memory_space<vmem>>) semaphore(%arg16 : memref<!tpu.dma_semaphore, #tpu.memory_space<semaphore_mem>>)
      %dma_wait3A_203 = arith.constant 0 : i32
      %dma_wait3A_204 = arith.constant 1 : i32
      %dma_wait3A_205 = arith.constant 0 : i32
      %dma_wait3A_206 = tpu.memref_slice %arg8[%dma_wait3A_203, %dma_wait3A_204, %dma_wait3A_205] : memref<2x2x64xi32, #tpu.memory_space<vmem>> -> memref<1x1x64xi32, #tpu.memory_space<vmem>>
      %dma_wait3A_207 = tpu.memref_squeeze %dma_wait3A_206 : memref<1x1x64xi32, #tpu.memory_space<vmem>> -> memref<64xi32, #tpu.memory_space<vmem>>
      %dma_wait3A_208 = arith.constant 0 : i32
      %dma_wait3A_209 = arith.constant 0 : i32
      %dma_wait3A_210 = tpu.memref_slice %arg2[%dma_wait3A_208, %dma_wait3A_209] : memref<10000x128xf32, #tpu.memory_space<hbm>> -> memref<10000x128xf32, #tpu.memory_space<hbm>>
      tpu.wait_indirect_dma semaphore(%arg17 : memref<!tpu.dma_semaphore, #tpu.memory_space<semaphore_mem>>) src(%dma_wait3A_210 : memref<10000x128xf32, #tpu.memory_space<hbm>>) dst(%arg12 : memref<64x128xf32, #tpu.memory_space<vmem>>)
      %run_scoped3A_211 = arith.constant 1 : i32
      %run_scoped3A_212 = arith.constant 1 : i32
      "tpu.region"() ({
        %run_scoped3A_347 = tpu.sem_alloc : memref<!tpu.dma_semaphore, #tpu.memory_space<semaphore_mem>>
        %dma_start3A_348 = arith.constant 0 : i32
        %dma_start3A_349 = tpu.memref_slice %arg8[%run_scoped3A_211, %run_scoped3A_212, %dma_start3A_348] : memref<2x2x64xi32, #tpu.memory_space<vmem>> -> memref<1x1x64xi32, #tpu.memory_space<vmem>>
        %dma_start3A_350 = tpu.memref_squeeze %dma_start3A_349 : memref<1x1x64xi32, #tpu.memory_space<vmem>> -> memref<64xi32, #tpu.memory_space<vmem>>
        %dma_start3A_351 = arith.constant 0 : i32
        %dma_start3A_352 = arith.constant 0 : i32
        %dma_start3A_353 = tpu.memref_slice %arg15[%dma_start3A_351, %dma_start3A_352] : memref<10112x128xf32, #tpu.memory_space<vmem_shared>> -> memref<10112x128xf32, #tpu.memory_space<vmem_shared>>
        tpu.enqueue_indirect_dma source(%arg12 : memref<64x128xf32, #tpu.memory_space<vmem>>) target(%dma_start3A_353 : memref<10112x128xf32, #tpu.memory_space<vmem_shared>>) offsets(%dma_start3A_350 : memref<64xi32, #tpu.memory_space<vmem>>) semaphore(%run_scoped3A_347 : memref<!tpu.dma_semaphore, #tpu.memory_space<semaphore_mem>>) {add = true}
        %dma_wait3A_354 = arith.constant 0 : i32
        %dma_wait3A_355 = tpu.memref_slice %arg8[%run_scoped3A_211, %run_scoped3A_212, %dma_wait3A_354] : memref<2x2x64xi32, #tpu.memory_space<vmem>> -> memref<1x1x64xi32, #tpu.memory_space<vmem>>
        %dma_wait3A_356 = tpu.memref_squeeze %dma_wait3A_355 : memref<1x1x64xi32, #tpu.memory_space<vmem>> -> memref<64xi32, #tpu.memory_space<vmem>>
        %dma_wait3A_357 = arith.constant 0 : i32
        %dma_wait3A_358 = arith.constant 0 : i32
        %dma_wait3A_359 = tpu.memref_slice %arg15[%dma_wait3A_357, %dma_wait3A_358] : memref<10112x128xf32, #tpu.memory_space<vmem_shared>> -> memref<10112x128xf32, #tpu.memory_space<vmem_shared>>
        tpu.wait_indirect_dma semaphore(%run_scoped3A_347 : memref<!tpu.dma_semaphore, #tpu.memory_space<semaphore_mem>>) src(%arg12 : memref<64x128xf32, #tpu.memory_space<vmem>>) dst(%dma_wait3A_359 : memref<10112x128xf32, #tpu.memory_space<vmem_shared>>)
        tpu.yield
      }) : () -> ()
      %get3A_213 = arith.constant 1 : i32
      %get3A_214 = arith.constant 1 : i32
      %get3A_215 = arith.index_cast %get3A_213 : i32 to index
      %get3A_216 = arith.index_cast %get3A_214 : i32 to index
      %get3A_217 = arith.constant 0 : index
      %get3A_218 = tpu.vector_load %arg8[%get3A_215, %get3A_216, %get3A_217] {strides = array<i32>} : memref<2x2x64xi32, #tpu.memory_space<vmem>>, vector<16xi32>,
      tpu.vector_store_idx %arg14[%get3A_218], %broadcast_in_dim3A_3 {add = true} : memref<10112xf32, #tpu.memory_space<vmem>>[vector<16xi32>], vector<16xf32>,
      %get3A_219 = arith.constant 1 : i32
      %get3A_220 = arith.constant 1 : i32
      %get3A_221 = arith.index_cast %get3A_219 : i32 to index
      %get3A_222 = arith.index_cast %get3A_220 : i32 to index
      %get3A_223 = arith.constant 16 : index
      %get3A_224 = tpu.vector_load %arg8[%get3A_221, %get3A_222, %get3A_223] {strides = array<i32>} : memref<2x2x64xi32, #tpu.memory_space<vmem>>, vector<16xi32>,
      tpu.vector_store_idx %arg14[%get3A_224], %broadcast_in_dim3A_3 {add = true} : memref<10112xf32, #tpu.memory_space<vmem>>[vector<16xi32>], vector<16xf32>,
      %get3A_225 = arith.constant 1 : i32
      %get3A_226 = arith.constant 1 : i32
      %get3A_227 = arith.index_cast %get3A_225 : i32 to index
      %get3A_228 = arith.index_cast %get3A_226 : i32 to index
      %get3A_229 = arith.constant 32 : index
      %get3A_230 = tpu.vector_load %arg8[%get3A_227, %get3A_228, %get3A_229] {strides = array<i32>} : memref<2x2x64xi32, #tpu.memory_space<vmem>>, vector<16xi32>,
      tpu.vector_store_idx %arg14[%get3A_230], %broadcast_in_dim3A_3 {add = true} : memref<10112xf32, #tpu.memory_space<vmem>>[vector<16xi32>], vector<16xf32>,
      %get3A_231 = arith.constant 1 : i32
      %get3A_232 = arith.constant 1 : i32
      %get3A_233 = arith.index_cast %get3A_231 : i32 to index
      %get3A_234 = arith.index_cast %get3A_232 : i32 to index
      %get3A_235 = arith.constant 48 : index
      %get3A_236 = tpu.vector_load %arg8[%get3A_233, %get3A_234, %get3A_235] {strides = array<i32>} : memref<2x2x64xi32, #tpu.memory_space<vmem>>, vector<16xi32>,
      tpu.vector_store_idx %arg14[%get3A_236], %broadcast_in_dim3A_3 {add = true} : memref<10112xf32, #tpu.memory_space<vmem>>[vector<16xi32>], vector<16xf32>,
      %mul3A_237 = arith.constant 2 : i32
      %mul3A_238 = arith.muli %mul3A_237, %scan3A_128 : i32
      %add3A_239 = arith.constant 1 : i32
      %add3A_240 = arith.addi %mul3A_238, %add3A_239 : i32
      %add3A_241 = arith.constant 1 : i32
      %add3A_242 = arith.addi %add3A_240, %add3A_241 : i32
      %dma_start3A_243 = arith.constant 0 : i32
      %dma_start3A_244 = arith.constant 0 : i32
      %dma_start3A_245 = arith.constant 0 : i32
      %dma_start3A_246 = tpu.memref_slice %arg3[%add3A, %add3A_242, %dma_start3A_243, %dma_start3A_244, %dma_start3A_245] : memref<32x79x2x2x64xi32, #tpu.memory_space<hbm>> -> memref<1x1x2x2x64xi32, #tpu.memory_space<hbm>>
      %dma_start3A_247 = tpu.memref_squeeze %dma_start3A_246 : memref<1x1x2x2x64xi32, #tpu.memory_space<hbm>> -> memref<2x2x64xi32, #tpu.memory_space<hbm>>
      %dma_start3A_248 = arith.constant 0 : i32
      %dma_start3A_249 = arith.constant 0 : i32
      %dma_start3A_250 = arith.constant 0 : i32
      %dma_start3A_251 = tpu.memref_slice %arg3[%add3A, %add3A_242, %dma_start3A_248, %dma_start3A_249, %dma_start3A_250] : memref<32x79x2x2x64xi32, #tpu.memory_space<hbm>> -> memref<1x1x2x2x64xi32, #tpu.memory_space<hbm>>
      %dma_start3A_252 = tpu.memref_squeeze %dma_start3A_251 : memref<1x1x2x2x64xi32, #tpu.memory_space<hbm>> -> memref<2x2x64xi32, #tpu.memory_space<hbm>>
      tpu.enqueue_dma source(%dma_start3A_252 : memref<2x2x64xi32, #tpu.memory_space<hbm>>) target(%arg8 : memref<2x2x64xi32, #tpu.memory_space<vmem>>) target_semaphore(%arg18 : memref<!tpu.dma_semaphore, #tpu.memory_space<semaphore_mem>>)
      %dma_wait3A_253 = arith.constant 0 : i32
      %dma_wait3A_254 = arith.constant 0 : i32
      %dma_wait3A_255 = arith.constant 0 : i32
      %dma_wait3A_256 = tpu.memref_slice %arg9[%dma_wait3A_253, %dma_wait3A_254, %dma_wait3A_255] : memref<2x2x64xi32, #tpu.memory_space<vmem>> -> memref<1x1x64xi32, #tpu.memory_space<vmem>>
      %dma_wait3A_257 = tpu.memref_squeeze %dma_wait3A_256 : memref<1x1x64xi32, #tpu.memory_space<vmem>> -> memref<64xi32, #tpu.memory_space<vmem>>
      %dma_wait3A_258 = arith.constant 0 : i32
      %dma_wait3A_259 = arith.constant 0 : i32
      %dma_wait3A_260 = tpu.memref_slice %arg2[%dma_wait3A_258, %dma_wait3A_259] : memref<10000x128xf32, #tpu.memory_space<hbm>> -> memref<10000x128xf32, #tpu.memory_space<hbm>>
      tpu.wait_indirect_dma semaphore(%arg16 : memref<!tpu.dma_semaphore, #tpu.memory_space<semaphore_mem>>) src(%dma_wait3A_260 : memref<10000x128xf32, #tpu.memory_space<hbm>>) dst(%arg11 : memref<64x128xf32, #tpu.memory_space<vmem>>)
      %dma_start3A_261 = arith.constant 0 : i32
      %dma_start3A_262 = arith.constant 1 : i32
      %dma_start3A_263 = arith.constant 0 : i32
      %dma_start3A_264 = tpu.memref_slice %arg9[%dma_start3A_261, %dma_start3A_262, %dma_start3A_263] : memref<2x2x64xi32, #tpu.memory_space<vmem>> -> memref<1x1x64xi32, #tpu.memory_space<vmem>>
      %dma_start3A_265 = tpu.memref_squeeze %dma_start3A_264 : memref<1x1x64xi32, #tpu.memory_space<vmem>> -> memref<64xi32, #tpu.memory_space<vmem>>
      %dma_start3A_266 = arith.constant 0 : i32
      %dma_start3A_267 = arith.constant 0 : i32
      %dma_start3A_268 = tpu.memref_slice %arg2[%dma_start3A_266, %dma_start3A_267] : memref<10000x128xf32, #tpu.memory_space<hbm>> -> memref<10000x128xf32, #tpu.memory_space<hbm>>
      tpu.enqueue_indirect_dma source(%dma_start3A_268 : memref<10000x128xf32, #tpu.memory_space<hbm>>) target(%arg12 : memref<64x128xf32, #tpu.memory_space<vmem>>) offsets(%dma_start3A_265 : memref<64xi32, #tpu.memory_space<vmem>>) semaphore(%arg17 : memref<!tpu.dma_semaphore, #tpu.memory_space<semaphore_mem>>)
      %run_scoped3A_269 = arith.constant 1 : i32
      %run_scoped3A_270 = arith.constant 0 : i32
      "tpu.region"() ({
        %run_scoped3A_347 = tpu.sem_alloc : memref<!tpu.dma_semaphore, #tpu.memory_space<semaphore_mem>>
        %dma_start3A_348 = arith.constant 0 : i32
        %dma_start3A_349 = tpu.memref_slice %arg9[%run_scoped3A_269, %run_scoped3A_270, %dma_start3A_348] : memref<2x2x64xi32, #tpu.memory_space<vmem>> -> memref<1x1x64xi32, #tpu.memory_space<vmem>>
        %dma_start3A_350 = tpu.memref_squeeze %dma_start3A_349 : memref<1x1x64xi32, #tpu.memory_space<vmem>> -> memref<64xi32, #tpu.memory_space<vmem>>
        %dma_start3A_351 = arith.constant 0 : i32
        %dma_start3A_352 = arith.constant 0 : i32
        %dma_start3A_353 = tpu.memref_slice %arg15[%dma_start3A_351, %dma_start3A_352] : memref<10112x128xf32, #tpu.memory_space<vmem_shared>> -> memref<10112x128xf32, #tpu.memory_space<vmem_shared>>
        tpu.enqueue_indirect_dma source(%arg11 : memref<64x128xf32, #tpu.memory_space<vmem>>) target(%dma_start3A_353 : memref<10112x128xf32, #tpu.memory_space<vmem_shared>>) offsets(%dma_start3A_350 : memref<64xi32, #tpu.memory_space<vmem>>) semaphore(%run_scoped3A_347 : memref<!tpu.dma_semaphore, #tpu.memory_space<semaphore_mem>>) {add = true}
        %dma_wait3A_354 = arith.constant 0 : i32
        %dma_wait3A_355 = tpu.memref_slice %arg9[%run_scoped3A_269, %run_scoped3A_270, %dma_wait3A_354] : memref<2x2x64xi32, #tpu.memory_space<vmem>> -> memref<1x1x64xi32, #tpu.memory_space<vmem>>
        %dma_wait3A_356 = tpu.memref_squeeze %dma_wait3A_355 : memref<1x1x64xi32, #tpu.memory_space<vmem>> -> memref<64xi32, #tpu.memory_space<vmem>>
        %dma_wait3A_357 = arith.constant 0 : i32
        %dma_wait3A_358 = arith.constant 0 : i32
        %dma_wait3A_359 = tpu.memref_slice %arg15[%dma_wait3A_357, %dma_wait3A_358] : memref<10112x128xf32, #tpu.memory_space<vmem_shared>> -> memref<10112x128xf32, #tpu.memory_space<vmem_shared>>
        tpu.wait_indirect_dma semaphore(%run_scoped3A_347 : memref<!tpu.dma_semaphore, #tpu.memory_space<semaphore_mem>>) src(%arg11 : memref<64x128xf32, #tpu.memory_space<vmem>>) dst(%dma_wait3A_359 : memref<10112x128xf32, #tpu.memory_space<vmem_shared>>)
        tpu.yield
      }) : () -> ()
      %get3A_271 = arith.constant 1 : i32
      %get3A_272 = arith.constant 0 : i32
      %get3A_273 = arith.index_cast %get3A_271 : i32 to index
      %get3A_274 = arith.index_cast %get3A_272 : i32 to index
      %get3A_275 = arith.constant 0 : index
      %get3A_276 = tpu.vector_load %arg9[%get3A_273, %get3A_274, %get3A_275] {strides = array<i32>} : memref<2x2x64xi32, #tpu.memory_space<vmem>>, vector<16xi32>,
      tpu.vector_store_idx %arg14[%get3A_276], %broadcast_in_dim3A_3 {add = true} : memref<10112xf32, #tpu.memory_space<vmem>>[vector<16xi32>], vector<16xf32>,
      %get3A_277 = arith.constant 1 : i32
      %get3A_278 = arith.constant 0 : i32
      %get3A_279 = arith.index_cast %get3A_277 : i32 to index
      %get3A_280 = arith.index_cast %get3A_278 : i32 to index
      %get3A_281 = arith.constant 16 : index
      %get3A_282 = tpu.vector_load %arg9[%get3A_279, %get3A_280, %get3A_281] {strides = array<i32>} : memref<2x2x64xi32, #tpu.memory_space<vmem>>, vector<16xi32>,
      tpu.vector_store_idx %arg14[%get3A_282], %broadcast_in_dim3A_3 {add = true} : memref<10112xf32, #tpu.memory_space<vmem>>[vector<16xi32>], vector<16xf32>,
      %get3A_283 = arith.constant 1 : i32
      %get3A_284 = arith.constant 0 : i32
      %get3A_285 = arith.index_cast %get3A_283 : i32 to index
      %get3A_286 = arith.index_cast %get3A_284 : i32 to index
      %get3A_287 = arith.constant 32 : index
      %get3A_288 = tpu.vector_load %arg9[%get3A_285, %get3A_286, %get3A_287] {strides = array<i32>} : memref<2x2x64xi32, #tpu.memory_space<vmem>>, vector<16xi32>,
      tpu.vector_store_idx %arg14[%get3A_288], %broadcast_in_dim3A_3 {add = true} : memref<10112xf32, #tpu.memory_space<vmem>>[vector<16xi32>], vector<16xf32>,
      %get3A_289 = arith.constant 1 : i32
      %get3A_290 = arith.constant 0 : i32
      %get3A_291 = arith.index_cast %get3A_289 : i32 to index
      %get3A_292 = arith.index_cast %get3A_290 : i32 to index
      %get3A_293 = arith.constant 48 : index
      %get3A_294 = tpu.vector_load %arg9[%get3A_291, %get3A_292, %get3A_293] {strides = array<i32>} : memref<2x2x64xi32, #tpu.memory_space<vmem>>, vector<16xi32>,
      tpu.vector_store_idx %arg14[%get3A_294], %broadcast_in_dim3A_3 {add = true} : memref<10112xf32, #tpu.memory_space<vmem>>[vector<16xi32>], vector<16xf32>,
      %dma_wait3A_295 = arith.constant 0 : i32
      %dma_wait3A_296 = arith.constant 0 : i32
      %dma_wait3A_297 = arith.constant 0 : i32
      %dma_wait3A_298 = tpu.memref_slice %arg3[%add3A, %add3A_242, %dma_wait3A_295, %dma_wait3A_296, %dma_wait3A_297] : memref<32x79x2x2x64xi32, #tpu.memory_space<hbm>> -> memref<1x1x2x2x64xi32, #tpu.memory_space<hbm>>
      %dma_wait3A_299 = tpu.memref_squeeze %dma_wait3A_298 : memref<1x1x2x2x64xi32, #tpu.memory_space<hbm>> -> memref<2x2x64xi32, #tpu.memory_space<hbm>>
      %dma_wait3A_300 = arith.constant 0 : i32
      %dma_wait3A_301 = arith.constant 0 : i32
      %dma_wait3A_302 = arith.constant 0 : i32
      %dma_wait3A_303 = tpu.memref_slice %arg3[%add3A, %add3A_242, %dma_wait3A_300, %dma_wait3A_301, %dma_wait3A_302] : memref<32x79x2x2x64xi32, #tpu.memory_space<hbm>> -> memref<1x1x2x2x64xi32, #tpu.memory_space<hbm>>
      %dma_wait3A_304 = tpu.memref_squeeze %dma_wait3A_303 : memref<1x1x2x2x64xi32, #tpu.memory_space<hbm>> -> memref<2x2x64xi32, #tpu.memory_space<hbm>>
      tpu.wait_dma2 semaphore(%arg18 : memref<!tpu.dma_semaphore, #tpu.memory_space<semaphore_mem>>) src(%dma_wait3A_304 : memref<2x2x64xi32, #tpu.memory_space<hbm>>) dst(%arg8 : memref<2x2x64xi32, #tpu.memory_space<vmem>>)
      %dma_start3A_305 = arith.constant 0 : i32
      %dma_start3A_306 = arith.constant 0 : i32
      %dma_start3A_307 = arith.constant 0 : i32
      %dma_start3A_308 = tpu.memref_slice %arg8[%dma_start3A_305, %dma_start3A_306, %dma_start3A_307] : memref<2x2x64xi32, #tpu.memory_space<vmem>> -> memref<1x1x64xi32, #tpu.memory_space<vmem>>
      %dma_start3A_309 = tpu.memref_squeeze %dma_start3A_308 : memref<1x1x64xi32, #tpu.memory_space<vmem>> -> memref<64xi32, #tpu.memory_space<vmem>>
      %dma_start3A_310 = arith.constant 0 : i32
      %dma_start3A_311 = arith.constant 0 : i32
      %dma_start3A_312 = tpu.memref_slice %arg2[%dma_start3A_310, %dma_start3A_311] : memref<10000x128xf32, #tpu.memory_space<hbm>> -> memref<10000x128xf32, #tpu.memory_space<hbm>>
      tpu.enqueue_indirect_dma source(%dma_start3A_312 : memref<10000x128xf32, #tpu.memory_space<hbm>>) target(%arg11 : memref<64x128xf32, #tpu.memory_space<vmem>>) offsets(%dma_start3A_309 : memref<64xi32, #tpu.memory_space<vmem>>) semaphore(%arg16 : memref<!tpu.dma_semaphore, #tpu.memory_space<semaphore_mem>>)
      %dma_wait3A_313 = arith.constant 0 : i32
      %dma_wait3A_314 = arith.constant 1 : i32
      %dma_wait3A_315 = arith.constant 0 : i32
      %dma_wait3A_316 = tpu.memref_slice %arg9[%dma_wait3A_313, %dma_wait3A_314, %dma_wait3A_315] : memref<2x2x64xi32, #tpu.memory_space<vmem>> -> memref<1x1x64xi32, #tpu.memory_space<vmem>>
      %dma_wait3A_317 = tpu.memref_squeeze %dma_wait3A_316 : memref<1x1x64xi32, #tpu.memory_space<vmem>> -> memref<64xi32, #tpu.memory_space<vmem>>
      %dma_wait3A_318 = arith.constant 0 : i32
      %dma_wait3A_319 = arith.constant 0 : i32
      %dma_wait3A_320 = tpu.memref_slice %arg2[%dma_wait3A_318, %dma_wait3A_319] : memref<10000x128xf32, #tpu.memory_space<hbm>> -> memref<10000x128xf32, #tpu.memory_space<hbm>>
      tpu.wait_indirect_dma semaphore(%arg17 : memref<!tpu.dma_semaphore, #tpu.memory_space<semaphore_mem>>) src(%dma_wait3A_320 : memref<10000x128xf32, #tpu.memory_space<hbm>>) dst(%arg12 : memref<64x128xf32, #tpu.memory_space<vmem>>)
      %run_scoped3A_321 = arith.constant 1 : i32
      %run_scoped3A_322 = arith.constant 1 : i32
      "tpu.region"() ({
        %run_scoped3A_347 = tpu.sem_alloc : memref<!tpu.dma_semaphore, #tpu.memory_space<semaphore_mem>>
        %dma_start3A_348 = arith.constant 0 : i32
        %dma_start3A_349 = tpu.memref_slice %arg9[%run_scoped3A_321, %run_scoped3A_322, %dma_start3A_348] : memref<2x2x64xi32, #tpu.memory_space<vmem>> -> memref<1x1x64xi32, #tpu.memory_space<vmem>>
        %dma_start3A_350 = tpu.memref_squeeze %dma_start3A_349 : memref<1x1x64xi32, #tpu.memory_space<vmem>> -> memref<64xi32, #tpu.memory_space<vmem>>
        %dma_start3A_351 = arith.constant 0 : i32
        %dma_start3A_352 = arith.constant 0 : i32
        %dma_start3A_353 = tpu.memref_slice %arg15[%dma_start3A_351, %dma_start3A_352] : memref<10112x128xf32, #tpu.memory_space<vmem_shared>> -> memref<10112x128xf32, #tpu.memory_space<vmem_shared>>
        tpu.enqueue_indirect_dma source(%arg12 : memref<64x128xf32, #tpu.memory_space<vmem>>) target(%dma_start3A_353 : memref<10112x128xf32, #tpu.memory_space<vmem_shared>>) offsets(%dma_start3A_350 : memref<64xi32, #tpu.memory_space<vmem>>) semaphore(%run_scoped3A_347 : memref<!tpu.dma_semaphore, #tpu.memory_space<semaphore_mem>>) {add = true}
        %dma_wait3A_354 = arith.constant 0 : i32
        %dma_wait3A_355 = tpu.memref_slice %arg9[%run_scoped3A_321, %run_scoped3A_322, %dma_wait3A_354] : memref<2x2x64xi32, #tpu.memory_space<vmem>> -> memref<1x1x64xi32, #tpu.memory_space<vmem>>
        %dma_wait3A_356 = tpu.memref_squeeze %dma_wait3A_355 : memref<1x1x64xi32, #tpu.memory_space<vmem>> -> memref<64xi32, #tpu.memory_space<vmem>>
        %dma_wait3A_357 = arith.constant 0 : i32
        %dma_wait3A_358 = arith.constant 0 : i32
        %dma_wait3A_359 = tpu.memref_slice %arg15[%dma_wait3A_357, %dma_wait3A_358] : memref<10112x128xf32, #tpu.memory_space<vmem_shared>> -> memref<10112x128xf32, #tpu.memory_space<vmem_shared>>
        tpu.wait_indirect_dma semaphore(%run_scoped3A_347 : memref<!tpu.dma_semaphore, #tpu.memory_space<semaphore_mem>>) src(%arg12 : memref<64x128xf32, #tpu.memory_space<vmem>>) dst(%dma_wait3A_359 : memref<10112x128xf32, #tpu.memory_space<vmem_shared>>)
        tpu.yield
      }) : () -> ()
      %get3A_323 = arith.constant 1 : i32
      %get3A_324 = arith.constant 1 : i32
      %get3A_325 = arith.index_cast %get3A_323 : i32 to index
      %get3A_326 = arith.index_cast %get3A_324 : i32 to index
      %get3A_327 = arith.constant 0 : index
      %get3A_328 = tpu.vector_load %arg9[%get3A_325, %get3A_326, %get3A_327] {strides = array<i32>} : memref<2x2x64xi32, #tpu.memory_space<vmem>>, vector<16xi32>,
      tpu.vector_store_idx %arg14[%get3A_328], %broadcast_in_dim3A_3 {add = true} : memref<10112xf32, #tpu.memory_space<vmem>>[vector<16xi32>], vector<16xf32>,
      %get3A_329 = arith.constant 1 : i32
      %get3A_330 = arith.constant 1 : i32
      %get3A_331 = arith.index_cast %get3A_329 : i32 to index
      %get3A_332 = arith.index_cast %get3A_330 : i32 to index
      %get3A_333 = arith.constant 16 : index
      %get3A_334 = tpu.vector_load %arg9[%get3A_331, %get3A_332, %get3A_333] {strides = array<i32>} : memref<2x2x64xi32, #tpu.memory_space<vmem>>, vector<16xi32>,
      tpu.vector_store_idx %arg14[%get3A_334], %broadcast_in_dim3A_3 {add = true} : memref<10112xf32, #tpu.memory_space<vmem>>[vector<16xi32>], vector<16xf32>,
      %get3A_335 = arith.constant 1 : i32
      %get3A_336 = arith.constant 1 : i32
      %get3A_337 = arith.index_cast %get3A_335 : i32 to index
      %get3A_338 = arith.index_cast %get3A_336 : i32 to index
      %get3A_339 = arith.constant 32 : index
      %get3A_340 = tpu.vector_load %arg9[%get3A_337, %get3A_338, %get3A_339] {strides = array<i32>} : memref<2x2x64xi32, #tpu.memory_space<vmem>>, vector<16xi32>,
      tpu.vector_store_idx %arg14[%get3A_340], %broadcast_in_dim3A_3 {add = true} : memref<10112xf32, #tpu.memory_space<vmem>>[vector<16xi32>], vector<16xf32>,
      %get3A_341 = arith.constant 1 : i32
      %get3A_342 = arith.constant 1 : i32
      %get3A_343 = arith.index_cast %get3A_341 : i32 to index
      %get3A_344 = arith.index_cast %get3A_342 : i32 to index
      %get3A_345 = arith.constant 48 : index
      %get3A_346 = tpu.vector_load %arg9[%get3A_343, %get3A_344, %get3A_345] {strides = array<i32>} : memref<2x2x64xi32, #tpu.memory_space<vmem>>, vector<16xi32>,
      tpu.vector_store_idx %arg14[%get3A_346], %broadcast_in_dim3A_3 {add = true} : memref<10112xf32, #tpu.memory_space<vmem>>[vector<16xi32>], vector<16xf32>,
    }
    %scan3A_61 = arith.constant 39 : i32
    %dma_wait3A = arith.constant 0 : i32
    %dma_wait3A_62 = arith.constant 0 : i32
    %dma_wait3A_63 = arith.constant 0 : i32
    %dma_wait3A_64 = tpu.memref_slice %arg8[%dma_wait3A, %dma_wait3A_62, %dma_wait3A_63] : memref<2x2x64xi32, #tpu.memory_space<vmem>> -> memref<1x1x64xi32, #tpu.memory_space<vmem>>
    %dma_wait3A_65 = tpu.memref_squeeze %dma_wait3A_64 : memref<1x1x64xi32, #tpu.memory_space<vmem>> -> memref<64xi32, #tpu.memory_space<vmem>>
    %dma_wait3A_66 = arith.constant 0 : i32
    %dma_wait3A_67 = arith.constant 0 : i32
    %dma_wait3A_68 = tpu.memref_slice %arg2[%dma_wait3A_66, %dma_wait3A_67] : memref<10000x128xf32, #tpu.memory_space<hbm>> -> memref<10000x128xf32, #tpu.memory_space<hbm>>
    tpu.wait_indirect_dma semaphore(%arg16 : memref<!tpu.dma_semaphore, #tpu.memory_space<semaphore_mem>>) src(%dma_wait3A_68 : memref<10000x128xf32, #tpu.memory_space<hbm>>) dst(%arg11 : memref<64x128xf32, #tpu.memory_space<vmem>>)
    "tpu.region"() ({
      %run_scoped3A_128 = tpu.sem_alloc : memref<!tpu.dma_semaphore, #tpu.memory_space<semaphore_mem>>
      %dma_start3A_129 = arith.constant 0 : i32
      %dma_start3A_130 = arith.constant 0 : i32
      %dma_start3A_131 = tpu.memref_slice %arg4[%add3A, %dma_start3A_129, %dma_start3A_130] : memref<32x2x16xi32, #tpu.memory_space<hbm>> -> memref<1x2x16xi32, #tpu.memory_space<hbm>>
      %dma_start3A_132 = tpu.memref_squeeze %dma_start3A_131 : memref<1x2x16xi32, #tpu.memory_space<hbm>> -> memref<2x16xi32, #tpu.memory_space<hbm>>
      %dma_start3A_133 = arith.constant 0 : i32
      %dma_start3A_134 = arith.constant 0 : i32
      %dma_start3A_135 = tpu.memref_slice %arg4[%add3A, %dma_start3A_133, %dma_start3A_134] : memref<32x2x16xi32, #tpu.memory_space<hbm>> -> memref<1x2x16xi32, #tpu.memory_space<hbm>>
      %dma_start3A_136 = tpu.memref_squeeze %dma_start3A_135 : memref<1x2x16xi32, #tpu.memory_space<hbm>> -> memref<2x16xi32, #tpu.memory_space<hbm>>
      tpu.enqueue_dma source(%dma_start3A_136 : memref<2x16xi32, #tpu.memory_space<hbm>>) target(%arg10 : memref<2x16xi32, #tpu.memory_space<vmem>>) target_semaphore(%run_scoped3A_128 : memref<!tpu.dma_semaphore, #tpu.memory_space<semaphore_mem>>)
      %dma_wait3A_137 = arith.constant 0 : i32
      %dma_wait3A_138 = arith.constant 0 : i32
      %dma_wait3A_139 = tpu.memref_slice %arg4[%add3A, %dma_wait3A_137, %dma_wait3A_138] : memref<32x2x16xi32, #tpu.memory_space<hbm>> -> memref<1x2x16xi32, #tpu.memory_space<hbm>>
      %dma_wait3A_140 = tpu.memref_squeeze %dma_wait3A_139 : memref<1x2x16xi32, #tpu.memory_space<hbm>> -> memref<2x16xi32, #tpu.memory_space<hbm>>
      %dma_wait3A_141 = arith.constant 0 : i32
      %dma_wait3A_142 = arith.constant 0 : i32
      %dma_wait3A_143 = tpu.memref_slice %arg4[%add3A, %dma_wait3A_141, %dma_wait3A_142] : memref<32x2x16xi32, #tpu.memory_space<hbm>> -> memref<1x2x16xi32, #tpu.memory_space<hbm>>
      %dma_wait3A_144 = tpu.memref_squeeze %dma_wait3A_143 : memref<1x2x16xi32, #tpu.memory_space<hbm>> -> memref<2x16xi32, #tpu.memory_space<hbm>>
      tpu.wait_dma2 semaphore(%run_scoped3A_128 : memref<!tpu.dma_semaphore, #tpu.memory_space<semaphore_mem>>) src(%dma_wait3A_144 : memref<2x16xi32, #tpu.memory_space<hbm>>) dst(%arg10 : memref<2x16xi32, #tpu.memory_space<vmem>>)
      tpu.yield
    }) : () -> ()
    %dma_start3A_69 = arith.constant 0 : i32
    %dma_start3A_70 = arith.constant 0 : i32
    %dma_start3A_71 = tpu.memref_slice %arg10[%dma_start3A_69, %dma_start3A_70] : memref<2x16xi32, #tpu.memory_space<vmem>> -> memref<1x16xi32, #tpu.memory_space<vmem>>
    %dma_start3A_72 = tpu.memref_squeeze %dma_start3A_71 : memref<1x16xi32, #tpu.memory_space<vmem>> -> memref<16xi32, #tpu.memory_space<vmem>>
    %dma_start3A_73 = arith.constant 0 : i32
    %dma_start3A_74 = arith.constant 0 : i32
    %dma_start3A_75 = tpu.memref_slice %arg2[%dma_start3A_73, %dma_start3A_74] : memref<10000x128xf32, #tpu.memory_space<hbm>> -> memref<10000x128xf32, #tpu.memory_space<hbm>>
    tpu.enqueue_indirect_dma source(%dma_start3A_75 : memref<10000x128xf32, #tpu.memory_space<hbm>>) target(%arg13 : memref<16x128xf32, #tpu.memory_space<vmem>>) offsets(%dma_start3A_72 : memref<16xi32, #tpu.memory_space<vmem>>) semaphore(%arg17 : memref<!tpu.dma_semaphore, #tpu.memory_space<semaphore_mem>>)
    %dma_wait3A_76 = arith.constant 0 : i32
    %dma_wait3A_77 = arith.constant 0 : i32
    %dma_wait3A_78 = tpu.memref_slice %arg10[%dma_wait3A_76, %dma_wait3A_77] : memref<2x16xi32, #tpu.memory_space<vmem>> -> memref<1x16xi32, #tpu.memory_space<vmem>>
    %dma_wait3A_79 = tpu.memref_squeeze %dma_wait3A_78 : memref<1x16xi32, #tpu.memory_space<vmem>> -> memref<16xi32, #tpu.memory_space<vmem>>
    %dma_wait3A_80 = arith.constant 0 : i32
    %dma_wait3A_81 = arith.constant 0 : i32
    %dma_wait3A_82 = tpu.memref_slice %arg2[%dma_wait3A_80, %dma_wait3A_81] : memref<10000x128xf32, #tpu.memory_space<hbm>> -> memref<10000x128xf32, #tpu.memory_space<hbm>>
    tpu.wait_indirect_dma semaphore(%arg17 : memref<!tpu.dma_semaphore, #tpu.memory_space<semaphore_mem>>) src(%dma_wait3A_82 : memref<10000x128xf32, #tpu.memory_space<hbm>>) dst(%arg13 : memref<16x128xf32, #tpu.memory_space<vmem>>)
    %run_scoped3A_83 = arith.constant 1 : i32
    "tpu.region"() ({
      %run_scoped3A_128 = tpu.sem_alloc : memref<!tpu.dma_semaphore, #tpu.memory_space<semaphore_mem>>
      %dma_start3A_129 = arith.constant 0 : i32
      %dma_start3A_130 = tpu.memref_slice %arg10[%run_scoped3A_83, %dma_start3A_129] : memref<2x16xi32, #tpu.memory_space<vmem>> -> memref<1x16xi32, #tpu.memory_space<vmem>>
      %dma_start3A_131 = tpu.memref_squeeze %dma_start3A_130 : memref<1x16xi32, #tpu.memory_space<vmem>> -> memref<16xi32, #tpu.memory_space<vmem>>
      %dma_start3A_132 = arith.constant 0 : i32
      %dma_start3A_133 = arith.constant 0 : i32
      %dma_start3A_134 = tpu.memref_slice %arg15[%dma_start3A_132, %dma_start3A_133] : memref<10112x128xf32, #tpu.memory_space<vmem_shared>> -> memref<10112x128xf32, #tpu.memory_space<vmem_shared>>
      tpu.enqueue_indirect_dma source(%arg13 : memref<16x128xf32, #tpu.memory_space<vmem>>) target(%dma_start3A_134 : memref<10112x128xf32, #tpu.memory_space<vmem_shared>>) offsets(%dma_start3A_131 : memref<16xi32, #tpu.memory_space<vmem>>) semaphore(%run_scoped3A_128 : memref<!tpu.dma_semaphore, #tpu.memory_space<semaphore_mem>>) {add = true}
      %dma_wait3A_135 = arith.constant 0 : i32
      %dma_wait3A_136 = tpu.memref_slice %arg10[%run_scoped3A_83, %dma_wait3A_135] : memref<2x16xi32, #tpu.memory_space<vmem>> -> memref<1x16xi32, #tpu.memory_space<vmem>>
      %dma_wait3A_137 = tpu.memref_squeeze %dma_wait3A_136 : memref<1x16xi32, #tpu.memory_space<vmem>> -> memref<16xi32, #tpu.memory_space<vmem>>
      %dma_wait3A_138 = arith.constant 0 : i32
      %dma_wait3A_139 = arith.constant 0 : i32
      %dma_wait3A_140 = tpu.memref_slice %arg15[%dma_wait3A_138, %dma_wait3A_139] : memref<10112x128xf32, #tpu.memory_space<vmem_shared>> -> memref<10112x128xf32, #tpu.memory_space<vmem_shared>>
      tpu.wait_indirect_dma semaphore(%run_scoped3A_128 : memref<!tpu.dma_semaphore, #tpu.memory_space<semaphore_mem>>) src(%arg13 : memref<16x128xf32, #tpu.memory_space<vmem>>) dst(%dma_wait3A_140 : memref<10112x128xf32, #tpu.memory_space<vmem_shared>>)
      tpu.yield
    }) : () -> ()
    %get3A = arith.constant 1 : i32
    %get3A_84 = arith.index_cast %get3A : i32 to index
    %get3A_85 = arith.constant 0 : index
    %get3A_86 = tpu.vector_load %arg10[%get3A_84, %get3A_85] {strides = array<i32>} : memref<2x16xi32, #tpu.memory_space<vmem>>, vector<16xi32>,
    tpu.vector_store_idx %arg14[%get3A_86], %broadcast_in_dim3A_3 {add = true} : memref<10112xf32, #tpu.memory_space<vmem>>[vector<16xi32>], vector<16xf32>,
    "tpu.region"() ({
      %run_scoped3A_128 = tpu.sem_alloc : memref<!tpu.dma_semaphore, #tpu.memory_space<semaphore_mem>>
      %dma_start3A_129 = arith.constant 0 : i32
      %dma_start3A_130 = tpu.memref_slice %arg7[%arg0, %arg1, %dma_start3A_129] : memref<2x16x10112xf32, #tpu.memory_space<hbm>> -> memref<1x1x10112xf32, #tpu.memory_space<hbm>>
      %dma_start3A_131 = tpu.memref_squeeze %dma_start3A_130 : memref<1x1x10112xf32, #tpu.memory_space<hbm>> -> memref<10112xf32, #tpu.memory_space<hbm>>
      %dma_start3A_132 = arith.constant 0 : i32
      %dma_start3A_133 = tpu.memref_slice %arg7[%arg0, %arg1, %dma_start3A_132] : memref<2x16x10112xf32, #tpu.memory_space<hbm>> -> memref<1x1x10112xf32, #tpu.memory_space<hbm>>
      %dma_start3A_134 = tpu.memref_squeeze %dma_start3A_133 : memref<1x1x10112xf32, #tpu.memory_space<hbm>> -> memref<10112xf32, #tpu.memory_space<hbm>>
      tpu.enqueue_dma source(%arg14 : memref<10112xf32, #tpu.memory_space<vmem>>) target(%dma_start3A_134 : memref<10112xf32, #tpu.memory_space<hbm>>) target_semaphore(%run_scoped3A_128 : memref<!tpu.dma_semaphore, #tpu.memory_space<semaphore_mem>>)
      %dma_wait3A_135 = arith.constant 0 : i32
      %dma_wait3A_136 = tpu.memref_slice %arg7[%arg0, %arg1, %dma_wait3A_135] : memref<2x16x10112xf32, #tpu.memory_space<hbm>> -> memref<1x1x10112xf32, #tpu.memory_space<hbm>>
      %dma_wait3A_137 = tpu.memref_squeeze %dma_wait3A_136 : memref<1x1x10112xf32, #tpu.memory_space<hbm>> -> memref<10112xf32, #tpu.memory_space<hbm>>
      %dma_wait3A_138 = arith.constant 0 : i32
      %dma_wait3A_139 = tpu.memref_slice %arg7[%arg0, %arg1, %dma_wait3A_138] : memref<2x16x10112xf32, #tpu.memory_space<hbm>> -> memref<1x1x10112xf32, #tpu.memory_space<hbm>>
      %dma_wait3A_140 = tpu.memref_squeeze %dma_wait3A_139 : memref<1x1x10112xf32, #tpu.memory_space<hbm>> -> memref<10112xf32, #tpu.memory_space<hbm>>
      tpu.wait_dma2 semaphore(%run_scoped3A_128 : memref<!tpu.dma_semaphore, #tpu.memory_space<semaphore_mem>>) src(%arg14 : memref<10112xf32, #tpu.memory_space<vmem>>) dst(%dma_wait3A_140 : memref<10112xf32, #tpu.memory_space<hbm>>)
      tpu.yield
    }) : () -> ()
    %barrier3A_87 = arith.constant 0 : index
    tpu.barrier barrier_id(%barrier3A_87)
    %mul3A_88 = arith.constant 632 : i32
    %mul3A_89 = arith.muli %arg1, %mul3A_88 : i32
    %add3A_90 = arith.constant 0 : i32
    %add3A_91 = arith.addi %mul3A_89, %add3A_90 : i32
    "tpu.region"() ({
      %run_scoped3A_128 = tpu.sem_alloc : memref<!tpu.dma_semaphore, #tpu.memory_space<semaphore_mem>>
      %dma_start3A_129 = arith.constant 0 : i32
      %dma_start3A_130 = tpu.memref_slice %arg15[%add3A_91, %dma_start3A_129] : memref<10112x128xf32, #tpu.memory_space<vmem_shared>> -> memref<64x128xf32, #tpu.memory_space<vmem_shared>>
      %dma_start3A_131 = arith.constant 0 : i32
      %dma_start3A_132 = tpu.memref_slice %arg15[%add3A_91, %dma_start3A_131] : memref<10112x128xf32, #tpu.memory_space<vmem_shared>> -> memref<64x128xf32, #tpu.memory_space<vmem_shared>>
      tpu.enqueue_dma source(%dma_start3A_132 : memref<64x128xf32, #tpu.memory_space<vmem_shared>>) target(%arg11 : memref<64x128xf32, #tpu.memory_space<vmem>>) target_semaphore(%run_scoped3A_128 : memref<!tpu.dma_semaphore, #tpu.memory_space<semaphore_mem>>)
      %dma_wait3A_133 = arith.constant 0 : i32
      %dma_wait3A_134 = tpu.memref_slice %arg15[%add3A_91, %dma_wait3A_133] : memref<10112x128xf32, #tpu.memory_space<vmem_shared>> -> memref<64x128xf32, #tpu.memory_space<vmem_shared>>
      %dma_wait3A_135 = arith.constant 0 : i32
      %dma_wait3A_136 = tpu.memref_slice %arg15[%add3A_91, %dma_wait3A_135] : memref<10112x128xf32, #tpu.memory_space<vmem_shared>> -> memref<64x128xf32, #tpu.memory_space<vmem_shared>>
      tpu.wait_dma2 semaphore(%run_scoped3A_128 : memref<!tpu.dma_semaphore, #tpu.memory_space<semaphore_mem>>) src(%dma_wait3A_136 : memref<64x128xf32, #tpu.memory_space<vmem_shared>>) dst(%arg11 : memref<64x128xf32, #tpu.memory_space<vmem>>)
      tpu.yield
    }) : () -> ()
    "tpu.region"() ({
      %run_scoped3A_128 = tpu.sem_alloc : memref<!tpu.dma_semaphore, #tpu.memory_space<semaphore_mem>>
      %dma_start3A_129 = arith.constant 0 : i32
      %dma_start3A_130 = tpu.memref_slice %arg6[%arg0, %add3A_91, %dma_start3A_129] : memref<2x10112x128xf32, #tpu.memory_space<hbm>> -> memref<1x64x128xf32, #tpu.memory_space<hbm>>
      %dma_start3A_131 = tpu.memref_squeeze %dma_start3A_130 : memref<1x64x128xf32, #tpu.memory_space<hbm>> -> memref<64x128xf32, #tpu.memory_space<hbm>>
      %dma_start3A_132 = arith.constant 0 : i32
      %dma_start3A_133 = tpu.memref_slice %arg6[%arg0, %add3A_91, %dma_start3A_132] : memref<2x10112x128xf32, #tpu.memory_space<hbm>> -> memref<1x64x128xf32, #tpu.memory_space<hbm>>
      %dma_start3A_134 = tpu.memref_squeeze %dma_start3A_133 : memref<1x64x128xf32, #tpu.memory_space<hbm>> -> memref<64x128xf32, #tpu.memory_space<hbm>>
      tpu.enqueue_dma source(%arg11 : memref<64x128xf32, #tpu.memory_space<vmem>>) target(%dma_start3A_134 : memref<64x128xf32, #tpu.memory_space<hbm>>) target_semaphore(%run_scoped3A_128 : memref<!tpu.dma_semaphore, #tpu.memory_space<semaphore_mem>>)
      %dma_wait3A_135 = arith.constant 0 : i32
      %dma_wait3A_136 = tpu.memref_slice %arg6[%arg0, %add3A_91, %dma_wait3A_135] : memref<2x10112x128xf32, #tpu.memory_space<hbm>> -> memref<1x64x128xf32, #tpu.memory_space<hbm>>
      %dma_wait3A_137 = tpu.memref_squeeze %dma_wait3A_136 : memref<1x64x128xf32, #tpu.memory_space<hbm>> -> memref<64x128xf32, #tpu.memory_space<hbm>>
      %dma_wait3A_138 = arith.constant 0 : i32
      %dma_wait3A_139 = tpu.memref_slice %arg6[%arg0, %add3A_91, %dma_wait3A_138] : memref<2x10112x128xf32, #tpu.memory_space<hbm>> -> memref<1x64x128xf32, #tpu.memory_space<hbm>>
      %dma_wait3A_140 = tpu.memref_squeeze %dma_wait3A_139 : memref<1x64x128xf32, #tpu.memory_space<hbm>> -> memref<64x128xf32, #tpu.memory_space<hbm>>
      tpu.wait_dma2 semaphore(%run_scoped3A_128 : memref<!tpu.dma_semaphore, #tpu.memory_space<semaphore_mem>>) src(%arg11 : memref<64x128xf32, #tpu.memory_space<vmem>>) dst(%dma_wait3A_140 : memref<64x128xf32, #tpu.memory_space<hbm>>)
      tpu.yield
    }) : () -> ()
    %mul3A_92 = arith.constant 632 : i32
    %mul3A_93 = arith.muli %arg1, %mul3A_92 : i32
    %add3A_94 = arith.constant 64 : i32
    %add3A_95 = arith.addi %mul3A_93, %add3A_94 : i32
    "tpu.region"() ({
      %run_scoped3A_128 = tpu.sem_alloc : memref<!tpu.dma_semaphore, #tpu.memory_space<semaphore_mem>>
      %dma_start3A_129 = arith.constant 0 : i32
      %dma_start3A_130 = tpu.memref_slice %arg15[%add3A_95, %dma_start3A_129] : memref<10112x128xf32, #tpu.memory_space<vmem_shared>> -> memref<64x128xf32, #tpu.memory_space<vmem_shared>>
      %dma_start3A_131 = arith.constant 0 : i32
      %dma_start3A_132 = tpu.memref_slice %arg15[%add3A_95, %dma_start3A_131] : memref<10112x128xf32, #tpu.memory_space<vmem_shared>> -> memref<64x128xf32, #tpu.memory_space<vmem_shared>>
      tpu.enqueue_dma source(%dma_start3A_132 : memref<64x128xf32, #tpu.memory_space<vmem_shared>>) target(%arg11 : memref<64x128xf32, #tpu.memory_space<vmem>>) target_semaphore(%run_scoped3A_128 : memref<!tpu.dma_semaphore, #tpu.memory_space<semaphore_mem>>)
      %dma_wait3A_133 = arith.constant 0 : i32
      %dma_wait3A_134 = tpu.memref_slice %arg15[%add3A_95, %dma_wait3A_133] : memref<10112x128xf32, #tpu.memory_space<vmem_shared>> -> memref<64x128xf32, #tpu.memory_space<vmem_shared>>
      %dma_wait3A_135 = arith.constant 0 : i32
      %dma_wait3A_136 = tpu.memref_slice %arg15[%add3A_95, %dma_wait3A_135] : memref<10112x128xf32, #tpu.memory_space<vmem_shared>> -> memref<64x128xf32, #tpu.memory_space<vmem_shared>>
      tpu.wait_dma2 semaphore(%run_scoped3A_128 : memref<!tpu.dma_semaphore, #tpu.memory_space<semaphore_mem>>) src(%dma_wait3A_136 : memref<64x128xf32, #tpu.memory_space<vmem_shared>>) dst(%arg11 : memref<64x128xf32, #tpu.memory_space<vmem>>)
      tpu.yield
    }) : () -> ()
    "tpu.region"() ({
      %run_scoped3A_128 = tpu.sem_alloc : memref<!tpu.dma_semaphore, #tpu.memory_space<semaphore_mem>>
      %dma_start3A_129 = arith.constant 0 : i32
      %dma_start3A_130 = tpu.memref_slice %arg6[%arg0, %add3A_95, %dma_start3A_129] : memref<2x10112x128xf32, #tpu.memory_space<hbm>> -> memref<1x64x128xf32, #tpu.memory_space<hbm>>
      %dma_start3A_131 = tpu.memref_squeeze %dma_start3A_130 : memref<1x64x128xf32, #tpu.memory_space<hbm>> -> memref<64x128xf32, #tpu.memory_space<hbm>>
      %dma_start3A_132 = arith.constant 0 : i32
      %dma_start3A_133 = tpu.memref_slice %arg6[%arg0, %add3A_95, %dma_start3A_132] : memref<2x10112x128xf32, #tpu.memory_space<hbm>> -> memref<1x64x128xf32, #tpu.memory_space<hbm>>
      %dma_start3A_134 = tpu.memref_squeeze %dma_start3A_133 : memref<1x64x128xf32, #tpu.memory_space<hbm>> -> memref<64x128xf32, #tpu.memory_space<hbm>>
      tpu.enqueue_dma source(%arg11 : memref<64x128xf32, #tpu.memory_space<vmem>>) target(%dma_start3A_134 : memref<64x128xf32, #tpu.memory_space<hbm>>) target_semaphore(%run_scoped3A_128 : memref<!tpu.dma_semaphore, #tpu.memory_space<semaphore_mem>>)
      %dma_wait3A_135 = arith.constant 0 : i32
      %dma_wait3A_136 = tpu.memref_slice %arg6[%arg0, %add3A_95, %dma_wait3A_135] : memref<2x10112x128xf32, #tpu.memory_space<hbm>> -> memref<1x64x128xf32, #tpu.memory_space<hbm>>
      %dma_wait3A_137 = tpu.memref_squeeze %dma_wait3A_136 : memref<1x64x128xf32, #tpu.memory_space<hbm>> -> memref<64x128xf32, #tpu.memory_space<hbm>>
      %dma_wait3A_138 = arith.constant 0 : i32
      %dma_wait3A_139 = tpu.memref_slice %arg6[%arg0, %add3A_95, %dma_wait3A_138] : memref<2x10112x128xf32, #tpu.memory_space<hbm>> -> memref<1x64x128xf32, #tpu.memory_space<hbm>>
      %dma_wait3A_140 = tpu.memref_squeeze %dma_wait3A_139 : memref<1x64x128xf32, #tpu.memory_space<hbm>> -> memref<64x128xf32, #tpu.memory_space<hbm>>
      tpu.wait_dma2 semaphore(%run_scoped3A_128 : memref<!tpu.dma_semaphore, #tpu.memory_space<semaphore_mem>>) src(%arg11 : memref<64x128xf32, #tpu.memory_space<vmem>>) dst(%dma_wait3A_140 : memref<64x128xf32, #tpu.memory_space<hbm>>)
      tpu.yield
    }) : () -> ()
    %mul3A_96 = arith.constant 632 : i32
    %mul3A_97 = arith.muli %arg1, %mul3A_96 : i32
    %add3A_98 = arith.constant 128 : i32
    %add3A_99 = arith.addi %mul3A_97, %add3A_98 : i32
    "tpu.region"() ({
      %run_scoped3A_128 = tpu.sem_alloc : memref<!tpu.dma_semaphore, #tpu.memory_space<semaphore_mem>>
      %dma_start3A_129 = arith.constant 0 : i32
      %dma_start3A_130 = tpu.memref_slice %arg15[%add3A_99, %dma_start3A_129] : memref<10112x128xf32, #tpu.memory_space<vmem_shared>> -> memref<64x128xf32, #tpu.memory_space<vmem_shared>>
      %dma_start3A_131 = arith.constant 0 : i32
      %dma_start3A_132 = tpu.memref_slice %arg15[%add3A_99, %dma_start3A_131] : memref<10112x128xf32, #tpu.memory_space<vmem_shared>> -> memref<64x128xf32, #tpu.memory_space<vmem_shared>>
      tpu.enqueue_dma source(%dma_start3A_132 : memref<64x128xf32, #tpu.memory_space<vmem_shared>>) target(%arg11 : memref<64x128xf32, #tpu.memory_space<vmem>>) target_semaphore(%run_scoped3A_128 : memref<!tpu.dma_semaphore, #tpu.memory_space<semaphore_mem>>)
      %dma_wait3A_133 = arith.constant 0 : i32
      %dma_wait3A_134 = tpu.memref_slice %arg15[%add3A_99, %dma_wait3A_133] : memref<10112x128xf32, #tpu.memory_space<vmem_shared>> -> memref<64x128xf32, #tpu.memory_space<vmem_shared>>
      %dma_wait3A_135 = arith.constant 0 : i32
      %dma_wait3A_136 = tpu.memref_slice %arg15[%add3A_99, %dma_wait3A_135] : memref<10112x128xf32, #tpu.memory_space<vmem_shared>> -> memref<64x128xf32, #tpu.memory_space<vmem_shared>>
      tpu.wait_dma2 semaphore(%run_scoped3A_128 : memref<!tpu.dma_semaphore, #tpu.memory_space<semaphore_mem>>) src(%dma_wait3A_136 : memref<64x128xf32, #tpu.memory_space<vmem_shared>>) dst(%arg11 : memref<64x128xf32, #tpu.memory_space<vmem>>)
      tpu.yield
    }) : () -> ()
    "tpu.region"() ({
      %run_scoped3A_128 = tpu.sem_alloc : memref<!tpu.dma_semaphore, #tpu.memory_space<semaphore_mem>>
      %dma_start3A_129 = arith.constant 0 : i32
      %dma_start3A_130 = tpu.memref_slice %arg6[%arg0, %add3A_99, %dma_start3A_129] : memref<2x10112x128xf32, #tpu.memory_space<hbm>> -> memref<1x64x128xf32, #tpu.memory_space<hbm>>
      %dma_start3A_131 = tpu.memref_squeeze %dma_start3A_130 : memref<1x64x128xf32, #tpu.memory_space<hbm>> -> memref<64x128xf32, #tpu.memory_space<hbm>>
      %dma_start3A_132 = arith.constant 0 : i32
      %dma_start3A_133 = tpu.memref_slice %arg6[%arg0, %add3A_99, %dma_start3A_132] : memref<2x10112x128xf32, #tpu.memory_space<hbm>> -> memref<1x64x128xf32, #tpu.memory_space<hbm>>
      %dma_start3A_134 = tpu.memref_squeeze %dma_start3A_133 : memref<1x64x128xf32, #tpu.memory_space<hbm>> -> memref<64x128xf32, #tpu.memory_space<hbm>>
      tpu.enqueue_dma source(%arg11 : memref<64x128xf32, #tpu.memory_space<vmem>>) target(%dma_start3A_134 : memref<64x128xf32, #tpu.memory_space<hbm>>) target_semaphore(%run_scoped3A_128 : memref<!tpu.dma_semaphore, #tpu.memory_space<semaphore_mem>>)
      %dma_wait3A_135 = arith.constant 0 : i32
      %dma_wait3A_136 = tpu.memref_slice %arg6[%arg0, %add3A_99, %dma_wait3A_135] : memref<2x10112x128xf32, #tpu.memory_space<hbm>> -> memref<1x64x128xf32, #tpu.memory_space<hbm>>
      %dma_wait3A_137 = tpu.memref_squeeze %dma_wait3A_136 : memref<1x64x128xf32, #tpu.memory_space<hbm>> -> memref<64x128xf32, #tpu.memory_space<hbm>>
      %dma_wait3A_138 = arith.constant 0 : i32
      %dma_wait3A_139 = tpu.memref_slice %arg6[%arg0, %add3A_99, %dma_wait3A_138] : memref<2x10112x128xf32, #tpu.memory_space<hbm>> -> memref<1x64x128xf32, #tpu.memory_space<hbm>>
      %dma_wait3A_140 = tpu.memref_squeeze %dma_wait3A_139 : memref<1x64x128xf32, #tpu.memory_space<hbm>> -> memref<64x128xf32, #tpu.memory_space<hbm>>
      tpu.wait_dma2 semaphore(%run_scoped3A_128 : memref<!tpu.dma_semaphore, #tpu.memory_space<semaphore_mem>>) src(%arg11 : memref<64x128xf32, #tpu.memory_space<vmem>>) dst(%dma_wait3A_140 : memref<64x128xf32, #tpu.memory_space<hbm>>)
      tpu.yield
    }) : () -> ()
    %mul3A_100 = arith.constant 632 : i32
    %mul3A_101 = arith.muli %arg1, %mul3A_100 : i32
    %add3A_102 = arith.constant 192 : i32
    %add3A_103 = arith.addi %mul3A_101, %add3A_102 : i32
    "tpu.region"() ({
      %run_scoped3A_128 = tpu.sem_alloc : memref<!tpu.dma_semaphore, #tpu.memory_space<semaphore_mem>>
      %dma_start3A_129 = arith.constant 0 : i32
      %dma_start3A_130 = tpu.memref_slice %arg15[%add3A_103, %dma_start3A_129] : memref<10112x128xf32, #tpu.memory_space<vmem_shared>> -> memref<64x128xf32, #tpu.memory_space<vmem_shared>>
      %dma_start3A_131 = arith.constant 0 : i32
      %dma_start3A_132 = tpu.memref_slice %arg15[%add3A_103, %dma_start3A_131] : memref<10112x128xf32, #tpu.memory_space<vmem_shared>> -> memref<64x128xf32, #tpu.memory_space<vmem_shared>>
      tpu.enqueue_dma source(%dma_start3A_132 : memref<64x128xf32, #tpu.memory_space<vmem_shared>>) target(%arg11 : memref<64x128xf32, #tpu.memory_space<vmem>>) target_semaphore(%run_scoped3A_128 : memref<!tpu.dma_semaphore, #tpu.memory_space<semaphore_mem>>)
      %dma_wait3A_133 = arith.constant 0 : i32
      %dma_wait3A_134 = tpu.memref_slice %arg15[%add3A_103, %dma_wait3A_133] : memref<10112x128xf32, #tpu.memory_space<vmem_shared>> -> memref<64x128xf32, #tpu.memory_space<vmem_shared>>
      %dma_wait3A_135 = arith.constant 0 : i32
      %dma_wait3A_136 = tpu.memref_slice %arg15[%add3A_103, %dma_wait3A_135] : memref<10112x128xf32, #tpu.memory_space<vmem_shared>> -> memref<64x128xf32, #tpu.memory_space<vmem_shared>>
      tpu.wait_dma2 semaphore(%run_scoped3A_128 : memref<!tpu.dma_semaphore, #tpu.memory_space<semaphore_mem>>) src(%dma_wait3A_136 : memref<64x128xf32, #tpu.memory_space<vmem_shared>>) dst(%arg11 : memref<64x128xf32, #tpu.memory_space<vmem>>)
      tpu.yield
    }) : () -> ()
    "tpu.region"() ({
      %run_scoped3A_128 = tpu.sem_alloc : memref<!tpu.dma_semaphore, #tpu.memory_space<semaphore_mem>>
      %dma_start3A_129 = arith.constant 0 : i32
      %dma_start3A_130 = tpu.memref_slice %arg6[%arg0, %add3A_103, %dma_start3A_129] : memref<2x10112x128xf32, #tpu.memory_space<hbm>> -> memref<1x64x128xf32, #tpu.memory_space<hbm>>
      %dma_start3A_131 = tpu.memref_squeeze %dma_start3A_130 : memref<1x64x128xf32, #tpu.memory_space<hbm>> -> memref<64x128xf32, #tpu.memory_space<hbm>>
      %dma_start3A_132 = arith.constant 0 : i32
      %dma_start3A_133 = tpu.memref_slice %arg6[%arg0, %add3A_103, %dma_start3A_132] : memref<2x10112x128xf32, #tpu.memory_space<hbm>> -> memref<1x64x128xf32, #tpu.memory_space<hbm>>
      %dma_start3A_134 = tpu.memref_squeeze %dma_start3A_133 : memref<1x64x128xf32, #tpu.memory_space<hbm>> -> memref<64x128xf32, #tpu.memory_space<hbm>>
      tpu.enqueue_dma source(%arg11 : memref<64x128xf32, #tpu.memory_space<vmem>>) target(%dma_start3A_134 : memref<64x128xf32, #tpu.memory_space<hbm>>) target_semaphore(%run_scoped3A_128 : memref<!tpu.dma_semaphore, #tpu.memory_space<semaphore_mem>>)
      %dma_wait3A_135 = arith.constant 0 : i32
      %dma_wait3A_136 = tpu.memref_slice %arg6[%arg0, %add3A_103, %dma_wait3A_135] : memref<2x10112x128xf32, #tpu.memory_space<hbm>> -> memref<1x64x128xf32, #tpu.memory_space<hbm>>
      %dma_wait3A_137 = tpu.memref_squeeze %dma_wait3A_136 : memref<1x64x128xf32, #tpu.memory_space<hbm>> -> memref<64x128xf32, #tpu.memory_space<hbm>>
      %dma_wait3A_138 = arith.constant 0 : i32
      %dma_wait3A_139 = tpu.memref_slice %arg6[%arg0, %add3A_103, %dma_wait3A_138] : memref<2x10112x128xf32, #tpu.memory_space<hbm>> -> memref<1x64x128xf32, #tpu.memory_space<hbm>>
      %dma_wait3A_140 = tpu.memref_squeeze %dma_wait3A_139 : memref<1x64x128xf32, #tpu.memory_space<hbm>> -> memref<64x128xf32, #tpu.memory_space<hbm>>
      tpu.wait_dma2 semaphore(%run_scoped3A_128 : memref<!tpu.dma_semaphore, #tpu.memory_space<semaphore_mem>>) src(%arg11 : memref<64x128xf32, #tpu.memory_space<vmem>>) dst(%dma_wait3A_140 : memref<64x128xf32, #tpu.memory_space<hbm>>)
      tpu.yield
    }) : () -> ()
    %mul3A_104 = arith.constant 632 : i32
    %mul3A_105 = arith.muli %arg1, %mul3A_104 : i32
    %add3A_106 = arith.constant 256 : i32
    %add3A_107 = arith.addi %mul3A_105, %add3A_106 : i32
    "tpu.region"() ({
      %run_scoped3A_128 = tpu.sem_alloc : memref<!tpu.dma_semaphore, #tpu.memory_space<semaphore_mem>>
      %dma_start3A_129 = arith.constant 0 : i32
      %dma_start3A_130 = tpu.memref_slice %arg15[%add3A_107, %dma_start3A_129] : memref<10112x128xf32, #tpu.memory_space<vmem_shared>> -> memref<64x128xf32, #tpu.memory_space<vmem_shared>>
      %dma_start3A_131 = arith.constant 0 : i32
      %dma_start3A_132 = tpu.memref_slice %arg15[%add3A_107, %dma_start3A_131] : memref<10112x128xf32, #tpu.memory_space<vmem_shared>> -> memref<64x128xf32, #tpu.memory_space<vmem_shared>>
      tpu.enqueue_dma source(%dma_start3A_132 : memref<64x128xf32, #tpu.memory_space<vmem_shared>>) target(%arg11 : memref<64x128xf32, #tpu.memory_space<vmem>>) target_semaphore(%run_scoped3A_128 : memref<!tpu.dma_semaphore, #tpu.memory_space<semaphore_mem>>)
      %dma_wait3A_133 = arith.constant 0 : i32
      %dma_wait3A_134 = tpu.memref_slice %arg15[%add3A_107, %dma_wait3A_133] : memref<10112x128xf32, #tpu.memory_space<vmem_shared>> -> memref<64x128xf32, #tpu.memory_space<vmem_shared>>
      %dma_wait3A_135 = arith.constant 0 : i32
      %dma_wait3A_136 = tpu.memref_slice %arg15[%add3A_107, %dma_wait3A_135] : memref<10112x128xf32, #tpu.memory_space<vmem_shared>> -> memref<64x128xf32, #tpu.memory_space<vmem_shared>>
      tpu.wait_dma2 semaphore(%run_scoped3A_128 : memref<!tpu.dma_semaphore, #tpu.memory_space<semaphore_mem>>) src(%dma_wait3A_136 : memref<64x128xf32, #tpu.memory_space<vmem_shared>>) dst(%arg11 : memref<64x128xf32, #tpu.memory_space<vmem>>)
      tpu.yield
    }) : () -> ()
    "tpu.region"() ({
      %run_scoped3A_128 = tpu.sem_alloc : memref<!tpu.dma_semaphore, #tpu.memory_space<semaphore_mem>>
      %dma_start3A_129 = arith.constant 0 : i32
      %dma_start3A_130 = tpu.memref_slice %arg6[%arg0, %add3A_107, %dma_start3A_129] : memref<2x10112x128xf32, #tpu.memory_space<hbm>> -> memref<1x64x128xf32, #tpu.memory_space<hbm>>
      %dma_start3A_131 = tpu.memref_squeeze %dma_start3A_130 : memref<1x64x128xf32, #tpu.memory_space<hbm>> -> memref<64x128xf32, #tpu.memory_space<hbm>>
      %dma_start3A_132 = arith.constant 0 : i32
      %dma_start3A_133 = tpu.memref_slice %arg6[%arg0, %add3A_107, %dma_start3A_132] : memref<2x10112x128xf32, #tpu.memory_space<hbm>> -> memref<1x64x128xf32, #tpu.memory_space<hbm>>
      %dma_start3A_134 = tpu.memref_squeeze %dma_start3A_133 : memref<1x64x128xf32, #tpu.memory_space<hbm>> -> memref<64x128xf32, #tpu.memory_space<hbm>>
      tpu.enqueue_dma source(%arg11 : memref<64x128xf32, #tpu.memory_space<vmem>>) target(%dma_start3A_134 : memref<64x128xf32, #tpu.memory_space<hbm>>) target_semaphore(%run_scoped3A_128 : memref<!tpu.dma_semaphore, #tpu.memory_space<semaphore_mem>>)
      %dma_wait3A_135 = arith.constant 0 : i32
      %dma_wait3A_136 = tpu.memref_slice %arg6[%arg0, %add3A_107, %dma_wait3A_135] : memref<2x10112x128xf32, #tpu.memory_space<hbm>> -> memref<1x64x128xf32, #tpu.memory_space<hbm>>
      %dma_wait3A_137 = tpu.memref_squeeze %dma_wait3A_136 : memref<1x64x128xf32, #tpu.memory_space<hbm>> -> memref<64x128xf32, #tpu.memory_space<hbm>>
      %dma_wait3A_138 = arith.constant 0 : i32
      %dma_wait3A_139 = tpu.memref_slice %arg6[%arg0, %add3A_107, %dma_wait3A_138] : memref<2x10112x128xf32, #tpu.memory_space<hbm>> -> memref<1x64x128xf32, #tpu.memory_space<hbm>>
      %dma_wait3A_140 = tpu.memref_squeeze %dma_wait3A_139 : memref<1x64x128xf32, #tpu.memory_space<hbm>> -> memref<64x128xf32, #tpu.memory_space<hbm>>
      tpu.wait_dma2 semaphore(%run_scoped3A_128 : memref<!tpu.dma_semaphore, #tpu.memory_space<semaphore_mem>>) src(%arg11 : memref<64x128xf32, #tpu.memory_space<vmem>>) dst(%dma_wait3A_140 : memref<64x128xf32, #tpu.memory_space<hbm>>)
      tpu.yield
    }) : () -> ()
    %mul3A_108 = arith.constant 632 : i32
    %mul3A_109 = arith.muli %arg1, %mul3A_108 : i32
    %add3A_110 = arith.constant 320 : i32
    %add3A_111 = arith.addi %mul3A_109, %add3A_110 : i32
    "tpu.region"() ({
      %run_scoped3A_128 = tpu.sem_alloc : memref<!tpu.dma_semaphore, #tpu.memory_space<semaphore_mem>>
      %dma_start3A_129 = arith.constant 0 : i32
      %dma_start3A_130 = tpu.memref_slice %arg15[%add3A_111, %dma_start3A_129] : memref<10112x128xf32, #tpu.memory_space<vmem_shared>> -> memref<64x128xf32, #tpu.memory_space<vmem_shared>>
      %dma_start3A_131 = arith.constant 0 : i32
      %dma_start3A_132 = tpu.memref_slice %arg15[%add3A_111, %dma_start3A_131] : memref<10112x128xf32, #tpu.memory_space<vmem_shared>> -> memref<64x128xf32, #tpu.memory_space<vmem_shared>>
      tpu.enqueue_dma source(%dma_start3A_132 : memref<64x128xf32, #tpu.memory_space<vmem_shared>>) target(%arg11 : memref<64x128xf32, #tpu.memory_space<vmem>>) target_semaphore(%run_scoped3A_128 : memref<!tpu.dma_semaphore, #tpu.memory_space<semaphore_mem>>)
      %dma_wait3A_133 = arith.constant 0 : i32
      %dma_wait3A_134 = tpu.memref_slice %arg15[%add3A_111, %dma_wait3A_133] : memref<10112x128xf32, #tpu.memory_space<vmem_shared>> -> memref<64x128xf32, #tpu.memory_space<vmem_shared>>
      %dma_wait3A_135 = arith.constant 0 : i32
      %dma_wait3A_136 = tpu.memref_slice %arg15[%add3A_111, %dma_wait3A_135] : memref<10112x128xf32, #tpu.memory_space<vmem_shared>> -> memref<64x128xf32, #tpu.memory_space<vmem_shared>>
      tpu.wait_dma2 semaphore(%run_scoped3A_128 : memref<!tpu.dma_semaphore, #tpu.memory_space<semaphore_mem>>) src(%dma_wait3A_136 : memref<64x128xf32, #tpu.memory_space<vmem_shared>>) dst(%arg11 : memref<64x128xf32, #tpu.memory_space<vmem>>)
      tpu.yield
    }) : () -> ()
    "tpu.region"() ({
      %run_scoped3A_128 = tpu.sem_alloc : memref<!tpu.dma_semaphore, #tpu.memory_space<semaphore_mem>>
      %dma_start3A_129 = arith.constant 0 : i32
      %dma_start3A_130 = tpu.memref_slice %arg6[%arg0, %add3A_111, %dma_start3A_129] : memref<2x10112x128xf32, #tpu.memory_space<hbm>> -> memref<1x64x128xf32, #tpu.memory_space<hbm>>
      %dma_start3A_131 = tpu.memref_squeeze %dma_start3A_130 : memref<1x64x128xf32, #tpu.memory_space<hbm>> -> memref<64x128xf32, #tpu.memory_space<hbm>>
      %dma_start3A_132 = arith.constant 0 : i32
      %dma_start3A_133 = tpu.memref_slice %arg6[%arg0, %add3A_111, %dma_start3A_132] : memref<2x10112x128xf32, #tpu.memory_space<hbm>> -> memref<1x64x128xf32, #tpu.memory_space<hbm>>
      %dma_start3A_134 = tpu.memref_squeeze %dma_start3A_133 : memref<1x64x128xf32, #tpu.memory_space<hbm>> -> memref<64x128xf32, #tpu.memory_space<hbm>>
      tpu.enqueue_dma source(%arg11 : memref<64x128xf32, #tpu.memory_space<vmem>>) target(%dma_start3A_134 : memref<64x128xf32, #tpu.memory_space<hbm>>) target_semaphore(%run_scoped3A_128 : memref<!tpu.dma_semaphore, #tpu.memory_space<semaphore_mem>>)
      %dma_wait3A_135 = arith.constant 0 : i32
      %dma_wait3A_136 = tpu.memref_slice %arg6[%arg0, %add3A_111, %dma_wait3A_135] : memref<2x10112x128xf32, #tpu.memory_space<hbm>> -> memref<1x64x128xf32, #tpu.memory_space<hbm>>
      %dma_wait3A_137 = tpu.memref_squeeze %dma_wait3A_136 : memref<1x64x128xf32, #tpu.memory_space<hbm>> -> memref<64x128xf32, #tpu.memory_space<hbm>>
      %dma_wait3A_138 = arith.constant 0 : i32
      %dma_wait3A_139 = tpu.memref_slice %arg6[%arg0, %add3A_111, %dma_wait3A_138] : memref<2x10112x128xf32, #tpu.memory_space<hbm>> -> memref<1x64x128xf32, #tpu.memory_space<hbm>>
      %dma_wait3A_140 = tpu.memref_squeeze %dma_wait3A_139 : memref<1x64x128xf32, #tpu.memory_space<hbm>> -> memref<64x128xf32, #tpu.memory_space<hbm>>
      tpu.wait_dma2 semaphore(%run_scoped3A_128 : memref<!tpu.dma_semaphore, #tpu.memory_space<semaphore_mem>>) src(%arg11 : memref<64x128xf32, #tpu.memory_space<vmem>>) dst(%dma_wait3A_140 : memref<64x128xf32, #tpu.memory_space<hbm>>)
      tpu.yield
    }) : () -> ()
    %mul3A_112 = arith.constant 632 : i32
    %mul3A_113 = arith.muli %arg1, %mul3A_112 : i32
    %add3A_114 = arith.constant 384 : i32
    %add3A_115 = arith.addi %mul3A_113, %add3A_114 : i32
    "tpu.region"() ({
      %run_scoped3A_128 = tpu.sem_alloc : memref<!tpu.dma_semaphore, #tpu.memory_space<semaphore_mem>>
      %dma_start3A_129 = arith.constant 0 : i32
      %dma_start3A_130 = tpu.memref_slice %arg15[%add3A_115, %dma_start3A_129] : memref<10112x128xf32, #tpu.memory_space<vmem_shared>> -> memref<64x128xf32, #tpu.memory_space<vmem_shared>>
      %dma_start3A_131 = arith.constant 0 : i32
      %dma_start3A_132 = tpu.memref_slice %arg15[%add3A_115, %dma_start3A_131] : memref<10112x128xf32, #tpu.memory_space<vmem_shared>> -> memref<64x128xf32, #tpu.memory_space<vmem_shared>>
      tpu.enqueue_dma source(%dma_start3A_132 : memref<64x128xf32, #tpu.memory_space<vmem_shared>>) target(%arg11 : memref<64x128xf32, #tpu.memory_space<vmem>>) target_semaphore(%run_scoped3A_128 : memref<!tpu.dma_semaphore, #tpu.memory_space<semaphore_mem>>)
      %dma_wait3A_133 = arith.constant 0 : i32
      %dma_wait3A_134 = tpu.memref_slice %arg15[%add3A_115, %dma_wait3A_133] : memref<10112x128xf32, #tpu.memory_space<vmem_shared>> -> memref<64x128xf32, #tpu.memory_space<vmem_shared>>
      %dma_wait3A_135 = arith.constant 0 : i32
      %dma_wait3A_136 = tpu.memref_slice %arg15[%add3A_115, %dma_wait3A_135] : memref<10112x128xf32, #tpu.memory_space<vmem_shared>> -> memref<64x128xf32, #tpu.memory_space<vmem_shared>>
      tpu.wait_dma2 semaphore(%run_scoped3A_128 : memref<!tpu.dma_semaphore, #tpu.memory_space<semaphore_mem>>) src(%dma_wait3A_136 : memref<64x128xf32, #tpu.memory_space<vmem_shared>>) dst(%arg11 : memref<64x128xf32, #tpu.memory_space<vmem>>)
      tpu.yield
    }) : () -> ()
    "tpu.region"() ({
      %run_scoped3A_128 = tpu.sem_alloc : memref<!tpu.dma_semaphore, #tpu.memory_space<semaphore_mem>>
      %dma_start3A_129 = arith.constant 0 : i32
      %dma_start3A_130 = tpu.memref_slice %arg6[%arg0, %add3A_115, %dma_start3A_129] : memref<2x10112x128xf32, #tpu.memory_space<hbm>> -> memref<1x64x128xf32, #tpu.memory_space<hbm>>
      %dma_start3A_131 = tpu.memref_squeeze %dma_start3A_130 : memref<1x64x128xf32, #tpu.memory_space<hbm>> -> memref<64x128xf32, #tpu.memory_space<hbm>>
      %dma_start3A_132 = arith.constant 0 : i32
      %dma_start3A_133 = tpu.memref_slice %arg6[%arg0, %add3A_115, %dma_start3A_132] : memref<2x10112x128xf32, #tpu.memory_space<hbm>> -> memref<1x64x128xf32, #tpu.memory_space<hbm>>
      %dma_start3A_134 = tpu.memref_squeeze %dma_start3A_133 : memref<1x64x128xf32, #tpu.memory_space<hbm>> -> memref<64x128xf32, #tpu.memory_space<hbm>>
      tpu.enqueue_dma source(%arg11 : memref<64x128xf32, #tpu.memory_space<vmem>>) target(%dma_start3A_134 : memref<64x128xf32, #tpu.memory_space<hbm>>) target_semaphore(%run_scoped3A_128 : memref<!tpu.dma_semaphore, #tpu.memory_space<semaphore_mem>>)
      %dma_wait3A_135 = arith.constant 0 : i32
      %dma_wait3A_136 = tpu.memref_slice %arg6[%arg0, %add3A_115, %dma_wait3A_135] : memref<2x10112x128xf32, #tpu.memory_space<hbm>> -> memref<1x64x128xf32, #tpu.memory_space<hbm>>
      %dma_wait3A_137 = tpu.memref_squeeze %dma_wait3A_136 : memref<1x64x128xf32, #tpu.memory_space<hbm>> -> memref<64x128xf32, #tpu.memory_space<hbm>>
      %dma_wait3A_138 = arith.constant 0 : i32
      %dma_wait3A_139 = tpu.memref_slice %arg6[%arg0, %add3A_115, %dma_wait3A_138] : memref<2x10112x128xf32, #tpu.memory_space<hbm>> -> memref<1x64x128xf32, #tpu.memory_space<hbm>>
      %dma_wait3A_140 = tpu.memref_squeeze %dma_wait3A_139 : memref<1x64x128xf32, #tpu.memory_space<hbm>> -> memref<64x128xf32, #tpu.memory_space<hbm>>
      tpu.wait_dma2 semaphore(%run_scoped3A_128 : memref<!tpu.dma_semaphore, #tpu.memory_space<semaphore_mem>>) src(%arg11 : memref<64x128xf32, #tpu.memory_space<vmem>>) dst(%dma_wait3A_140 : memref<64x128xf32, #tpu.memory_space<hbm>>)
      tpu.yield
    }) : () -> ()
    %mul3A_116 = arith.constant 632 : i32
    %mul3A_117 = arith.muli %arg1, %mul3A_116 : i32
    %add3A_118 = arith.constant 448 : i32
    %add3A_119 = arith.addi %mul3A_117, %add3A_118 : i32
    "tpu.region"() ({
      %run_scoped3A_128 = tpu.sem_alloc : memref<!tpu.dma_semaphore, #tpu.memory_space<semaphore_mem>>
      %dma_start3A_129 = arith.constant 0 : i32
      %dma_start3A_130 = tpu.memref_slice %arg15[%add3A_119, %dma_start3A_129] : memref<10112x128xf32, #tpu.memory_space<vmem_shared>> -> memref<64x128xf32, #tpu.memory_space<vmem_shared>>
      %dma_start3A_131 = arith.constant 0 : i32
      %dma_start3A_132 = tpu.memref_slice %arg15[%add3A_119, %dma_start3A_131] : memref<10112x128xf32, #tpu.memory_space<vmem_shared>> -> memref<64x128xf32, #tpu.memory_space<vmem_shared>>
      tpu.enqueue_dma source(%dma_start3A_132 : memref<64x128xf32, #tpu.memory_space<vmem_shared>>) target(%arg11 : memref<64x128xf32, #tpu.memory_space<vmem>>) target_semaphore(%run_scoped3A_128 : memref<!tpu.dma_semaphore, #tpu.memory_space<semaphore_mem>>)
      %dma_wait3A_133 = arith.constant 0 : i32
      %dma_wait3A_134 = tpu.memref_slice %arg15[%add3A_119, %dma_wait3A_133] : memref<10112x128xf32, #tpu.memory_space<vmem_shared>> -> memref<64x128xf32, #tpu.memory_space<vmem_shared>>
      %dma_wait3A_135 = arith.constant 0 : i32
      %dma_wait3A_136 = tpu.memref_slice %arg15[%add3A_119, %dma_wait3A_135] : memref<10112x128xf32, #tpu.memory_space<vmem_shared>> -> memref<64x128xf32, #tpu.memory_space<vmem_shared>>
      tpu.wait_dma2 semaphore(%run_scoped3A_128 : memref<!tpu.dma_semaphore, #tpu.memory_space<semaphore_mem>>) src(%dma_wait3A_136 : memref<64x128xf32, #tpu.memory_space<vmem_shared>>) dst(%arg11 : memref<64x128xf32, #tpu.memory_space<vmem>>)
      tpu.yield
    }) : () -> ()
    "tpu.region"() ({
      %run_scoped3A_128 = tpu.sem_alloc : memref<!tpu.dma_semaphore, #tpu.memory_space<semaphore_mem>>
      %dma_start3A_129 = arith.constant 0 : i32
      %dma_start3A_130 = tpu.memref_slice %arg6[%arg0, %add3A_119, %dma_start3A_129] : memref<2x10112x128xf32, #tpu.memory_space<hbm>> -> memref<1x64x128xf32, #tpu.memory_space<hbm>>
      %dma_start3A_131 = tpu.memref_squeeze %dma_start3A_130 : memref<1x64x128xf32, #tpu.memory_space<hbm>> -> memref<64x128xf32, #tpu.memory_space<hbm>>
      %dma_start3A_132 = arith.constant 0 : i32
      %dma_start3A_133 = tpu.memref_slice %arg6[%arg0, %add3A_119, %dma_start3A_132] : memref<2x10112x128xf32, #tpu.memory_space<hbm>> -> memref<1x64x128xf32, #tpu.memory_space<hbm>>
      %dma_start3A_134 = tpu.memref_squeeze %dma_start3A_133 : memref<1x64x128xf32, #tpu.memory_space<hbm>> -> memref<64x128xf32, #tpu.memory_space<hbm>>
      tpu.enqueue_dma source(%arg11 : memref<64x128xf32, #tpu.memory_space<vmem>>) target(%dma_start3A_134 : memref<64x128xf32, #tpu.memory_space<hbm>>) target_semaphore(%run_scoped3A_128 : memref<!tpu.dma_semaphore, #tpu.memory_space<semaphore_mem>>)
      %dma_wait3A_135 = arith.constant 0 : i32
      %dma_wait3A_136 = tpu.memref_slice %arg6[%arg0, %add3A_119, %dma_wait3A_135] : memref<2x10112x128xf32, #tpu.memory_space<hbm>> -> memref<1x64x128xf32, #tpu.memory_space<hbm>>
      %dma_wait3A_137 = tpu.memref_squeeze %dma_wait3A_136 : memref<1x64x128xf32, #tpu.memory_space<hbm>> -> memref<64x128xf32, #tpu.memory_space<hbm>>
      %dma_wait3A_138 = arith.constant 0 : i32
      %dma_wait3A_139 = tpu.memref_slice %arg6[%arg0, %add3A_119, %dma_wait3A_138] : memref<2x10112x128xf32, #tpu.memory_space<hbm>> -> memref<1x64x128xf32, #tpu.memory_space<hbm>>
      %dma_wait3A_140 = tpu.memref_squeeze %dma_wait3A_139 : memref<1x64x128xf32, #tpu.memory_space<hbm>> -> memref<64x128xf32, #tpu.memory_space<hbm>>
      tpu.wait_dma2 semaphore(%run_scoped3A_128 : memref<!tpu.dma_semaphore, #tpu.memory_space<semaphore_mem>>) src(%arg11 : memref<64x128xf32, #tpu.memory_space<vmem>>) dst(%dma_wait3A_140 : memref<64x128xf32, #tpu.memory_space<hbm>>)
      tpu.yield
    }) : () -> ()
    %mul3A_120 = arith.constant 632 : i32
    %mul3A_121 = arith.muli %arg1, %mul3A_120 : i32
    %add3A_122 = arith.constant 512 : i32
    %add3A_123 = arith.addi %mul3A_121, %add3A_122 : i32
    "tpu.region"() ({
      %run_scoped3A_128 = tpu.sem_alloc : memref<!tpu.dma_semaphore, #tpu.memory_space<semaphore_mem>>
      %dma_start3A_129 = arith.constant 0 : i32
      %dma_start3A_130 = tpu.memref_slice %arg15[%add3A_123, %dma_start3A_129] : memref<10112x128xf32, #tpu.memory_space<vmem_shared>> -> memref<64x128xf32, #tpu.memory_space<vmem_shared>>
      %dma_start3A_131 = arith.constant 0 : i32
      %dma_start3A_132 = tpu.memref_slice %arg15[%add3A_123, %dma_start3A_131] : memref<10112x128xf32, #tpu.memory_space<vmem_shared>> -> memref<64x128xf32, #tpu.memory_space<vmem_shared>>
      tpu.enqueue_dma source(%dma_start3A_132 : memref<64x128xf32, #tpu.memory_space<vmem_shared>>) target(%arg11 : memref<64x128xf32, #tpu.memory_space<vmem>>) target_semaphore(%run_scoped3A_128 : memref<!tpu.dma_semaphore, #tpu.memory_space<semaphore_mem>>)
      %dma_wait3A_133 = arith.constant 0 : i32
      %dma_wait3A_134 = tpu.memref_slice %arg15[%add3A_123, %dma_wait3A_133] : memref<10112x128xf32, #tpu.memory_space<vmem_shared>> -> memref<64x128xf32, #tpu.memory_space<vmem_shared>>
      %dma_wait3A_135 = arith.constant 0 : i32
      %dma_wait3A_136 = tpu.memref_slice %arg15[%add3A_123, %dma_wait3A_135] : memref<10112x128xf32, #tpu.memory_space<vmem_shared>> -> memref<64x128xf32, #tpu.memory_space<vmem_shared>>
      tpu.wait_dma2 semaphore(%run_scoped3A_128 : memref<!tpu.dma_semaphore, #tpu.memory_space<semaphore_mem>>) src(%dma_wait3A_136 : memref<64x128xf32, #tpu.memory_space<vmem_shared>>) dst(%arg11 : memref<64x128xf32, #tpu.memory_space<vmem>>)
      tpu.yield
    }) : () -> ()
    "tpu.region"() ({
      %run_scoped3A_128 = tpu.sem_alloc : memref<!tpu.dma_semaphore, #tpu.memory_space<semaphore_mem>>
      %dma_start3A_129 = arith.constant 0 : i32
      %dma_start3A_130 = tpu.memref_slice %arg6[%arg0, %add3A_123, %dma_start3A_129] : memref<2x10112x128xf32, #tpu.memory_space<hbm>> -> memref<1x64x128xf32, #tpu.memory_space<hbm>>
      %dma_start3A_131 = tpu.memref_squeeze %dma_start3A_130 : memref<1x64x128xf32, #tpu.memory_space<hbm>> -> memref<64x128xf32, #tpu.memory_space<hbm>>
      %dma_start3A_132 = arith.constant 0 : i32
      %dma_start3A_133 = tpu.memref_slice %arg6[%arg0, %add3A_123, %dma_start3A_132] : memref<2x10112x128xf32, #tpu.memory_space<hbm>> -> memref<1x64x128xf32, #tpu.memory_space<hbm>>
      %dma_start3A_134 = tpu.memref_squeeze %dma_start3A_133 : memref<1x64x128xf32, #tpu.memory_space<hbm>> -> memref<64x128xf32, #tpu.memory_space<hbm>>
      tpu.enqueue_dma source(%arg11 : memref<64x128xf32, #tpu.memory_space<vmem>>) target(%dma_start3A_134 : memref<64x128xf32, #tpu.memory_space<hbm>>) target_semaphore(%run_scoped3A_128 : memref<!tpu.dma_semaphore, #tpu.memory_space<semaphore_mem>>)
      %dma_wait3A_135 = arith.constant 0 : i32
      %dma_wait3A_136 = tpu.memref_slice %arg6[%arg0, %add3A_123, %dma_wait3A_135] : memref<2x10112x128xf32, #tpu.memory_space<hbm>> -> memref<1x64x128xf32, #tpu.memory_space<hbm>>
      %dma_wait3A_137 = tpu.memref_squeeze %dma_wait3A_136 : memref<1x64x128xf32, #tpu.memory_space<hbm>> -> memref<64x128xf32, #tpu.memory_space<hbm>>
      %dma_wait3A_138 = arith.constant 0 : i32
      %dma_wait3A_139 = tpu.memref_slice %arg6[%arg0, %add3A_123, %dma_wait3A_138] : memref<2x10112x128xf32, #tpu.memory_space<hbm>> -> memref<1x64x128xf32, #tpu.memory_space<hbm>>
      %dma_wait3A_140 = tpu.memref_squeeze %dma_wait3A_139 : memref<1x64x128xf32, #tpu.memory_space<hbm>> -> memref<64x128xf32, #tpu.memory_space<hbm>>
      tpu.wait_dma2 semaphore(%run_scoped3A_128 : memref<!tpu.dma_semaphore, #tpu.memory_space<semaphore_mem>>) src(%arg11 : memref<64x128xf32, #tpu.memory_space<vmem>>) dst(%dma_wait3A_140 : memref<64x128xf32, #tpu.memory_space<hbm>>)
      tpu.yield
    }) : () -> ()
    %mul3A_124 = arith.constant 632 : i32
    %mul3A_125 = arith.muli %arg1, %mul3A_124 : i32
    %add3A_126 = arith.constant 576 : i32
    %add3A_127 = arith.addi %mul3A_125, %add3A_126 : i32
    "tpu.region"() ({
      %run_scoped3A_128 = tpu.sem_alloc : memref<!tpu.dma_semaphore, #tpu.memory_space<semaphore_mem>>
      %dma_start3A_129 = arith.constant 0 : i32
      %dma_start3A_130 = arith.constant 0 : i32
      %dma_start3A_131 = tpu.memref_slice %arg11[%dma_start3A_129, %dma_start3A_130] : memref<64x128xf32, #tpu.memory_space<vmem>> -> memref<56x128xf32, #tpu.memory_space<vmem>>
      %dma_start3A_132 = arith.constant 0 : i32
      %dma_start3A_133 = tpu.memref_slice %arg15[%add3A_127, %dma_start3A_132] : memref<10112x128xf32, #tpu.memory_space<vmem_shared>> -> memref<56x128xf32, #tpu.memory_space<vmem_shared>>
      %dma_start3A_134 = arith.constant 0 : i32
      %dma_start3A_135 = arith.constant 0 : i32
      %dma_start3A_136 = tpu.memref_slice %arg11[%dma_start3A_134, %dma_start3A_135] : memref<64x128xf32, #tpu.memory_space<vmem>> -> memref<56x128xf32, #tpu.memory_space<vmem>>
      %dma_start3A_137 = arith.constant 0 : i32
      %dma_start3A_138 = tpu.memref_slice %arg15[%add3A_127, %dma_start3A_137] : memref<10112x128xf32, #tpu.memory_space<vmem_shared>> -> memref<56x128xf32, #tpu.memory_space<vmem_shared>>
      tpu.enqueue_dma source(%dma_start3A_138 : memref<56x128xf32, #tpu.memory_space<vmem_shared>>) target(%dma_start3A_136 : memref<56x128xf32, #tpu.memory_space<vmem>>) target_semaphore(%run_scoped3A_128 : memref<!tpu.dma_semaphore, #tpu.memory_space<semaphore_mem>>)
      %dma_wait3A_139 = arith.constant 0 : i32
      %dma_wait3A_140 = arith.constant 0 : i32
      %dma_wait3A_141 = tpu.memref_slice %arg11[%dma_wait3A_139, %dma_wait3A_140] : memref<64x128xf32, #tpu.memory_space<vmem>> -> memref<56x128xf32, #tpu.memory_space<vmem>>
      %dma_wait3A_142 = arith.constant 0 : i32
      %dma_wait3A_143 = tpu.memref_slice %arg15[%add3A_127, %dma_wait3A_142] : memref<10112x128xf32, #tpu.memory_space<vmem_shared>> -> memref<56x128xf32, #tpu.memory_space<vmem_shared>>
      %dma_wait3A_144 = arith.constant 0 : i32
      %dma_wait3A_145 = arith.constant 0 : i32
      %dma_wait3A_146 = tpu.memref_slice %arg11[%dma_wait3A_144, %dma_wait3A_145] : memref<64x128xf32, #tpu.memory_space<vmem>> -> memref<56x128xf32, #tpu.memory_space<vmem>>
      %dma_wait3A_147 = arith.constant 0 : i32
      %dma_wait3A_148 = tpu.memref_slice %arg15[%add3A_127, %dma_wait3A_147] : memref<10112x128xf32, #tpu.memory_space<vmem_shared>> -> memref<56x128xf32, #tpu.memory_space<vmem_shared>>
      tpu.wait_dma2 semaphore(%run_scoped3A_128 : memref<!tpu.dma_semaphore, #tpu.memory_space<semaphore_mem>>) src(%dma_wait3A_148 : memref<56x128xf32, #tpu.memory_space<vmem_shared>>) dst(%dma_wait3A_146 : memref<56x128xf32, #tpu.memory_space<vmem>>)
      tpu.yield
    }) : () -> ()
    "tpu.region"() ({
      %run_scoped3A_128 = tpu.sem_alloc : memref<!tpu.dma_semaphore, #tpu.memory_space<semaphore_mem>>
      %dma_start3A_129 = arith.constant 0 : i32
      %dma_start3A_130 = arith.constant 0 : i32
      %dma_start3A_131 = tpu.memref_slice %arg11[%dma_start3A_129, %dma_start3A_130] : memref<64x128xf32, #tpu.memory_space<vmem>> -> memref<56x128xf32, #tpu.memory_space<vmem>>
      %dma_start3A_132 = arith.constant 0 : i32
      %dma_start3A_133 = tpu.memref_slice %arg6[%arg0, %add3A_127, %dma_start3A_132] : memref<2x10112x128xf32, #tpu.memory_space<hbm>> -> memref<1x56x128xf32, #tpu.memory_space<hbm>>
      %dma_start3A_134 = tpu.memref_squeeze %dma_start3A_133 : memref<1x56x128xf32, #tpu.memory_space<hbm>> -> memref<56x128xf32, #tpu.memory_space<hbm>>
      %dma_start3A_135 = arith.constant 0 : i32
      %dma_start3A_136 = tpu.memref_slice %arg6[%arg0, %add3A_127, %dma_start3A_135] : memref<2x10112x128xf32, #tpu.memory_space<hbm>> -> memref<1x56x128xf32, #tpu.memory_space<hbm>>
      %dma_start3A_137 = tpu.memref_squeeze %dma_start3A_136 : memref<1x56x128xf32, #tpu.memory_space<hbm>> -> memref<56x128xf32, #tpu.memory_space<hbm>>
      %dma_start3A_138 = arith.constant 0 : i32
      %dma_start3A_139 = arith.constant 0 : i32
      %dma_start3A_140 = tpu.memref_slice %arg11[%dma_start3A_138, %dma_start3A_139] : memref<64x128xf32, #tpu.memory_space<vmem>> -> memref<56x128xf32, #tpu.memory_space<vmem>>
      tpu.enqueue_dma source(%dma_start3A_140 : memref<56x128xf32, #tpu.memory_space<vmem>>) target(%dma_start3A_137 : memref<56x128xf32, #tpu.memory_space<hbm>>) target_semaphore(%run_scoped3A_128 : memref<!tpu.dma_semaphore, #tpu.memory_space<semaphore_mem>>)
      %dma_wait3A_141 = arith.constant 0 : i32
      %dma_wait3A_142 = arith.constant 0 : i32
      %dma_wait3A_143 = tpu.memref_slice %arg11[%dma_wait3A_141, %dma_wait3A_142] : memref<64x128xf32, #tpu.memory_space<vmem>> -> memref<56x128xf32, #tpu.memory_space<vmem>>
      %dma_wait3A_144 = arith.constant 0 : i32
      %dma_wait3A_145 = tpu.memref_slice %arg6[%arg0, %add3A_127, %dma_wait3A_144] : memref<2x10112x128xf32, #tpu.memory_space<hbm>> -> memref<1x56x128xf32, #tpu.memory_space<hbm>>
      %dma_wait3A_146 = tpu.memref_squeeze %dma_wait3A_145 : memref<1x56x128xf32, #tpu.memory_space<hbm>> -> memref<56x128xf32, #tpu.memory_space<hbm>>
      %dma_wait3A_147 = arith.constant 0 : i32
      %dma_wait3A_148 = tpu.memref_slice %arg6[%arg0, %add3A_127, %dma_wait3A_147] : memref<2x10112x128xf32, #tpu.memory_space<hbm>> -> memref<1x56x128xf32, #tpu.memory_space<hbm>>
      %dma_wait3A_149 = tpu.memref_squeeze %dma_wait3A_148 : memref<1x56x128xf32, #tpu.memory_space<hbm>> -> memref<56x128xf32, #tpu.memory_space<hbm>>
      %dma_wait3A_150 = arith.constant 0 : i32
      %dma_wait3A_151 = arith.constant 0 : i32
      %dma_wait3A_152 = tpu.memref_slice %arg11[%dma_wait3A_150, %dma_wait3A_151] : memref<64x128xf32, #tpu.memory_space<vmem>> -> memref<56x128xf32, #tpu.memory_space<vmem>>
      tpu.wait_dma2 semaphore(%run_scoped3A_128 : memref<!tpu.dma_semaphore, #tpu.memory_space<semaphore_mem>>) src(%dma_wait3A_152 : memref<56x128xf32, #tpu.memory_space<vmem>>) dst(%dma_wait3A_149 : memref<56x128xf32, #tpu.memory_space<hbm>>)
      tpu.yield
    }) : () -> ()
    return
  }
}

module attributes {stable_mosaic.version = 14 : i64} {
  func.func @body(%arg0: i32, %arg1: memref<2x400x128xf32, #tpu.memory_space<vmem>>, %arg2: memref<400x32xf32, #tpu.memory_space<vmem>>, %arg3: memref<400x128xf32, #tpu.memory_space<vmem>>, %arg4: memref<128x128xf32, #tpu.memory_space<vmem>>, %arg5: memref<1x128xf32, #tpu.memory_space<vmem>>, %arg6: memref<128x128xf32, #tpu.memory_space<vmem>>, %arg7: memref<400x128xf32, #tpu.memory_space<vmem>>) attributes {dimension_semantics = [#tpu.dimension_semantics<arbitrary>], iteration_bounds = array<i64: 25>, scalar_prefetch = 0 : i64, scratch_operands = 0 : i64, tpu.core_type = #tpu.core_type<tc>, window_params = [{transform_indices = @transform_0, window_bounds = array<i64: 2, 400, 128>}, {transform_indices = @transform_1, window_bounds = array<i64: 400, 32>}, {transform_indices = @transform_2, window_bounds = array<i64: 400, 128>}, {pipeline_mode = #tpu.pipeline_mode<synchronous>, transform_indices = @transform_3, window_bounds = array<i64: 128, 128>}, {pipeline_mode = #tpu.pipeline_mode<synchronous>, transform_indices = @transform_4, window_bounds = array<i64: 1, 128>}, {pipeline_mode = #tpu.pipeline_mode<synchronous>, transform_indices = @transform_5, window_bounds = array<i64: 128, 128>}, {transform_indices = @transform_6, window_bounds = array<i64: 400, 128>}]} {
    %get3A = arith.constant 0 : index
    %get3A_0 = arith.constant 0 : index
    %get3A_1 = arith.constant 0 : index
    %get3A_2 = vector.load %arg1[%get3A, %get3A_0, %get3A_1] : memref<2x400x128xf32, #tpu.memory_space<vmem>>, vector<1x400x128xf32>
    %get3A_3 = vector.shape_cast %get3A_2 : vector<1x400x128xf32> to vector<400x128xf32>
    %get3A_4 = arith.constant 1 : index
    %get3A_5 = arith.constant 0 : index
    %get3A_6 = arith.constant 0 : index
    %get3A_7 = vector.load %arg1[%get3A_4, %get3A_5, %get3A_6] : memref<2x400x128xf32, #tpu.memory_space<vmem>>, vector<1x400x128xf32>
    %get3A_8 = vector.shape_cast %get3A_7 : vector<1x400x128xf32> to vector<400x128xf32>
    %add3A = arith.addf %get3A_3, %get3A_8 : vector<400x128xf32>
    %get3A_9 = arith.constant 0 : index
    %get3A_10 = arith.constant 0 : index
    %get3A_11 = vector.load %arg2[%get3A_9, %get3A_10] : memref<400x32xf32, #tpu.memory_space<vmem>>, vector<400x32xf32>
    %reduce_sum3A = arith.constant dense<0.000000e+00> : vector<400xf32>
    %reduce_sum3A_12 = vector.multi_reduction <add>, %get3A_11, %reduce_sum3A [1] : vector<400x32xf32> to vector<400xf32>
    %broadcast_in_dim3A = vector.shape_cast %reduce_sum3A_12 : vector<400xf32> to vector<400x1xf32>
    %max3A = arith.constant 1.000000e+00 : f32
    %max3A_13 = vector.broadcast %max3A : f32 to vector<400x1xf32>
    %max3A_14 = arith.maximumf %broadcast_in_dim3A, %max3A_13 : vector<400x1xf32>
    %div3A = vector.broadcast %max3A_14 : vector<400x1xf32> to vector<400x128xf32>
    %div3A_15 = arith.divf %add3A, %div3A : vector<400x128xf32>
    %get3A_16 = arith.constant 0 : index
    %get3A_17 = arith.constant 0 : index
    %get3A_18 = vector.load %arg4[%get3A_16, %get3A_17] : memref<128x128xf32, #tpu.memory_space<vmem>>, vector<128x128xf32>
    %dot_general3A = arith.constant dense<0.000000e+00> : vector<400x128xf32>
    %dot_general3A_19 = tpu.matmul %div3A_15, %get3A_18, %dot_general3A {dimension_numbers = #tpu.dot_dimension_numbers<[1], [0], [0], [1], [0, 0, 1, 1], [], []>, transpose_lhs_hint = false} : vector<400x128xf32>, vector<128x128xf32>, vector<400x128xf32> -> vector<400x128xf32>
    %get3A_20 = arith.constant 0 : index
    %get3A_21 = arith.constant 0 : index
    %get3A_22 = vector.load %arg3[%get3A_20, %get3A_21] : memref<400x128xf32, #tpu.memory_space<vmem>>, vector<400x128xf32>
    %get3A_23 = arith.constant 0 : index
    %get3A_24 = arith.constant 0 : index
    %get3A_25 = vector.load %arg6[%get3A_23, %get3A_24] : memref<128x128xf32, #tpu.memory_space<vmem>>, vector<128x128xf32>
    %dot_general3A_26 = arith.constant dense<0.000000e+00> : vector<400x128xf32>
    %dot_general3A_27 = tpu.matmul %get3A_22, %get3A_25, %dot_general3A_26 {dimension_numbers = #tpu.dot_dimension_numbers<[1], [0], [0], [1], [0, 0, 1, 1], [], []>, transpose_lhs_hint = false} : vector<400x128xf32>, vector<128x128xf32>, vector<400x128xf32> -> vector<400x128xf32>
    %add3A_28 = arith.addf %dot_general3A_19, %dot_general3A_27 : vector<400x128xf32>
    %get3A_29 = arith.constant 0 : index
    %get3A_30 = arith.constant 0 : index
    %get3A_31 = vector.load %arg5[%get3A_29, %get3A_30] : memref<1x128xf32, #tpu.memory_space<vmem>>, vector<1x128xf32>
    %add3A_32 = vector.broadcast %get3A_31 : vector<1x128xf32> to vector<400x128xf32>
    %add3A_33 = arith.addf %add3A_28, %add3A_32 : vector<400x128xf32>
    %max3A_34 = arith.constant 0.000000e+00 : f32
    %max3A_35 = vector.broadcast %max3A_34 : f32 to vector<400x128xf32>
    %max3A_36 = arith.maximumf %add3A_33, %max3A_35 : vector<400x128xf32>
    %swap3A = arith.constant 0 : index
    %swap3A_37 = arith.constant 0 : index
    %swap3A_38 = vector.load %arg7[%swap3A, %swap3A_37] : memref<400x128xf32, #tpu.memory_space<vmem>>, vector<400x128xf32>
    tpu.vector_store %arg7[%swap3A, %swap3A_37], %max3A_36 {strides = array<i32>} : memref<400x128xf32, #tpu.memory_space<vmem>>, vector<400x128xf32>,
    return
  }
  func.func @transform_0(%arg0: i32) -> (i32, i32, i32) {
    %c0_i32 = arith.constant 0 : i32
    %c0_i32_0 = arith.constant 0 : i32
    %c0_i32_1 = arith.constant 0 : i32
    return %c0_i32, %arg0, %c0_i32_0 : i32, i32, i32
  }
  func.func @transform_1(%arg0: i32) -> (i32, i32) {
    %c0_i32 = arith.constant 0 : i32
    %c0_i32_0 = arith.constant 0 : i32
    return %arg0, %c0_i32 : i32, i32
  }
  func.func @transform_2(%arg0: i32) -> (i32, i32) {
    %c0_i32 = arith.constant 0 : i32
    %c0_i32_0 = arith.constant 0 : i32
    return %arg0, %c0_i32 : i32, i32
  }
  func.func @transform_3(%arg0: i32) -> (i32, i32) {
    %c0_i32 = arith.constant 0 : i32
    %c0_i32_0 = arith.constant 0 : i32
    %c0_i32_1 = arith.constant 0 : i32
    return %c0_i32, %c0_i32_0 : i32, i32
  }
  func.func @transform_4(%arg0: i32) -> (i32, i32) {
    %c0_i32 = arith.constant 0 : i32
    %c0_i32_0 = arith.constant 0 : i32
    %c0_i32_1 = arith.constant 0 : i32
    return %c0_i32, %c0_i32_0 : i32, i32
  }
  func.func @transform_5(%arg0: i32) -> (i32, i32) {
    %c0_i32 = arith.constant 0 : i32
    %c0_i32_0 = arith.constant 0 : i32
    %c0_i32_1 = arith.constant 0 : i32
    return %c0_i32, %c0_i32_0 : i32, i32
  }
  func.func @transform_6(%arg0: i32) -> (i32, i32) {
    %c0_i32 = arith.constant 0 : i32
    %c0_i32_0 = arith.constant 0 : i32
    return %arg0, %c0_i32 : i32, i32
  }
}

</mosaic_0001>

<sc_bundles>
// kernel: kernel.4.cloned.1.call-start
scs
__scs_entry_jumppad:
0x0: {  	(pc) =	sbr.rel $0x88, $3  }
0x1: {  	(tag) =	ssettag $0x0;
	lr =	simm.s32 $0x1  }
0x2: {  	[smem:$0x3F9C] =	sst lr;
	_ =	strace $0xD0000000  }
0x3: {  	_ = 	snop  }
0x4: {  	_ = 	snop  }
0x5: {  	_ = 	snop  }
0x6: {  	_ = 	snop  }
0x7: {  	_ = 	snop  }
__scs_overlays_trampoline_lowered:
0x8: {  	[smem:$0x3FAB] =	sst s0  }
0x9: {  	[smem:$0x3FAC] =	sst s1  }
0xa: {  	[smem:$0x3FAD] =	sst s2  }
0xb: {  	[smem:$0x3FAE] =	sst s3  }
0xc: {  	[smem:$0x3FAF] =	sst s4  }
0xd: {  	[smem:$0x3FB0] =	sst s5  }
0xe: {  	[smem:$0x3FB1] =	sst s6  }
0xf: {  	[smem:$0x3FB2] =	sst s7  }
0x10: {  	[smem:$0x3FB3] =	sst s8  }
0x11: {  	[smem:$0x3FB4] =	sst s9;
	s0 =	simm.s32 @!p0 $0x0  }
0x12: {  	s1 =	sld [smem:$0x3F9A];
	s0 =	simm.s32 @p0 $0x1  }
0x13: {  	[smem:$0x3FB5] =	sst s0;
	s0 =	simm.s32 @!p1 $0x0  }
0x14: {  	s2 =	sld [smem:$0x3F99];
	s0 =	simm.s32 @p1 $0x1  }
0x15: {  	[smem:$0x3FB6] =	sst s0;
	s0 =	simm.s32 @!p2 $0x0  }
0x16: {  	s3 =	sld [smem:$0x3FDB];
	s0 =	simm.s32 @p2 $0x1  }
0x17: {  	s4 =	simm.s32 $0x1BF5;
	[smem:$0x3FB8] =	sst s0  }
0x18: {  	s0 =	sld [smem:$0x3F9B];
	_ =	swait.ge [sflag:s4], $0x0  }
0x19: {  	s7 =	sld [smem:$0x3F9C]  }
0x1a: {  	s8 =	sadd.s32 $0xFFFFE003, lr  }
0x1b: {  	s9 =	sadd.s32 $0xFFFFFEF7, lr;
	s5 =	simm.s32 $0xFFFFFFFF;
	p2 =	slt.u32 s8, $0xFFFFF086  }
0x1c: {  	p1 =	slt.u32 s9, $0xF7A;
	s5 =	simm.s32 @!p2 $0x0  }
0x1d: {  	s5 =	simm.s32 @p1 $0x1;
	p0 =	seq.s32 s7, s2  }
0x1e: {  	s7 =	smul.u32 @!p0 $0xF7A, s2;
	p2 =	seq.s32 @!p0 s5, $0x0  }
0x1f: {  	s9 =	smul.u32 $0xF7A, s1;
	s8 =	simm.s32 @!p0 $0x1BF5;
	p2 =	por !p2, p0  }
0x20: {  	[sflag:s8] =	ssyncset.s32 @!p0 $0xFFFFF086;
	s6 =	sadd.s32 @!p0 s3, s7;
	s7 =	simm.s32 @!p0 $0x108  }
0x21: {  	s3 =	sadd.s32 s3, s9;
	s6 =	sadd.s32 @!p0 $0x88, s6;
	s7 =	simm.s32 @p2 $0x1082  }
0x22: {  	[simem:s7], [sflag:s8] =	dma.local @!p0 [hbm:s6], $0xF7A  }
0x23: {  	s9 =	sor.u32 $0xD0000000, s2;
	s6 =	simm.s32 $0x108;
	_ =	swait.ge @!p0 [sflag:s8], $0x0  }
0x24: {  	s3 =	sadd.s32 $0x88, s3;
	s6 =	simm.s32 @!p1 $0x1082;
	[sflag:s4] =	ssyncset.s32 $0xFFFFF086  }
0x25: {  	[simem:s6], [sflag:s4] =	dma.local [hbm:s3], $0xF7A  }
0x26: {  	[smem:$0x3F9C] =	sst s1;
	(tag) =	ssettag s2;
	_ =	strace s9  }
0x27: {  	s1 =	sld [smem:$0x3FAC]  }
0x28: {  	s2 =	sld [smem:$0x3FAD]  }
0x29: {  	s4 =	sld [smem:$0x3FAF]  }
0x2a: {  	p0 =	seq.s32 s5, $0x0;
	s5 =	sld [smem:$0x3FB0]  }
0x2b: {  	s6 =	sld [smem:$0x3FB1]  }
0x2c: {  	s7 =	sld [smem:$0x3FB2]  }
0x2d: {  	s3 =	simm.s32 $0x108;
	s8 =	sld [smem:$0x3FB3]  }
0x2e: {  	s3 =	simm.s32 @!p0 $0x1082;
	s9 =	sld [smem:$0x3FB4]  }
0x2f: {  	lr =	sadd.s32 s0, s3;
	s0 =	sld [smem:$0x3FAB]  }
0x30: {  	s3 =	sld [smem:$0x3FAE]  }
0x31: {  	[smem:$0x3FB7] =	sst s10  }
0x32: {  	s10 =	sld [smem:$0x3FB5];
	_ =	sdelay $0x3  }
0x33: {  	p0 =	seq.s32 s10, $0x1;
	s10 =	sld [smem:$0x3FB7];
	_ =	sdelay $0x3  }
0x34: {  	[smem:$0x3FB7] =	sst s10  }
0x35: {  	s10 =	sld [smem:$0x3FB6];
	_ =	sdelay $0x3  }
0x36: {  	p1 =	seq.s32 s10, $0x1;
	s10 =	sld [smem:$0x3FB7];
	_ =	sdelay $0x3  }
0x37: {  	[smem:$0x3FB7] =	sst s10  }
0x38: {  	s10 =	sld [smem:$0x3FB8]  }
0x39: {  	_ = 	snop;
	(pc) =	sbr.ind lr, $3  }
0x3a: {  	_ = 	snop  }
0x3b: {  	_ = 	snop  }
0x3c: {  	p2 =	seq.s32 s10, $0x1;
	s10 =	sld [smem:$0x3FB7]  }
0x3d: {  	_ =	shalt  }
0x3e: {  	_ =	shalt  }
0x3f: {  	_ =	shalt  }
0x40: {  	_ =	shalt  }
0x41: {  	_ =	shalt  }
0x42: {  	_ =	shalt  }
0x43: {  	_ =	shalt  }
0x44: {  	_ =	shalt  }
0x45: {  	_ =	shalt  }
0x46: {  	_ =	shalt  }
0x47: {  	_ =	shalt  }
0x48: {  	_ =	shalt  }
0x49: {  	_ =	shalt  }
0x4a: {  	_ =	shalt  }
0x4b: {  	_ =	shalt  }
0x4c: {  	_ =	shalt  }
0x4d: {  	_ =	shalt  }
0x4e: {  	_ =	shalt  }
0x4f: {  	_ =	shalt  }
0x50: {  	_ =	shalt  }
0x51: {  	_ =	shalt  }
0x52: {  	_ =	shalt  }
0x53: {  	_ =	shalt  }
0x54: {  	_ =	shalt  }
0x55: {  	_ =	shalt  }
0x56: {  	_ =	shalt  }
0x57: {  	_ =	shalt  }
0x58: {  	_ =	shalt  }
0x59: {  	_ =	shalt  }
0x5a: {  	_ =	shalt  }
0x5b: {  	_ =	shalt  }
0x5c: {  	_ =	shalt  }
0x5d: {  	_ =	shalt  }
0x5e: {  	_ =	shalt  }
0x5f: {  	_ =	shalt  }
0x60: {  	_ =	shalt  }
0x61: {  	_ =	shalt  }
0x62: {  	_ =	shalt  }
0x63: {  	_ =	shalt  }
0x64: {  	_ =	shalt  }
0x65: {  	_ =	shalt  }
0x66: {  	_ =	shalt  }
0x67: {  	_ =	shalt  }
0x68: {  	_ =	shalt  }
0x69: {  	_ =	shalt  }
0x6a: {  	_ =	shalt  }
0x6b: {  	_ =	shalt  }
0x6c: {  	_ =	shalt  }
0x6d: {  	_ =	shalt  }
0x6e: {  	_ =	shalt  }
0x6f: {  	_ =	shalt  }
0x70: {  	_ =	shalt  }
0x71: {  	_ =	shalt  }
0x72: {  	_ =	shalt  }
0x73: {  	_ =	shalt  }
0x74: {  	_ =	shalt  }
0x75: {  	_ =	shalt  }
0x76: {  	_ =	shalt  }
0x77: {  	_ =	shalt  }
0x78: {  	_ =	shalt  }
0x79: {  	_ =	shalt  }
0x7a: {  	_ =	shalt  }
0x7b: {  	_ =	shalt  }
0x7c: {  	_ =	shalt  }
0x7d: {  	_ =	shalt  }
0x7e: {  	_ =	shalt  }
0x7f: {  	_ =	shalt  }
0x80: {  	_ =	shalt  }
0x81: {  	_ =	shalt  }
0x82: {  	_ =	shalt  }
0x83: {  	_ =	shalt  }
0x84: {  	_ =	shalt  }
0x85: {  	_ =	shalt  }
0x86: {  	_ =	shalt  }
0x87: {  	_ =	shalt  }
.Lfunc_end0:
.L_simem_size_0:
called_computation_lowered:
.L_overlay_start_0:
0x88: {  	s2 =	sld [smem:$0x3FD9]  }
0x89: {  	s3 =	sld [smem:$0x3FFE];
	_ =	sdelay $0x1  }
0x8a: {  	s1 =	srdreg.scid  }
0x8b: {  	s0 =	sand.u32 $0x1, s1  }
0x8c: {  	s17 =	sshll.u32 s0, $0xA;
	s2 =	sadd.s32 s3, s2  }
0x8d: {  	s2 =	sadd.s32 s2, s17  }
0x8e: {  	[smem:$0x3FC3] =	sst s2  }
0x8f: {  	_ = 	snop  }
0x90: {  	s2 =	sld [smem:$0x3FC9]  }
0x91: {  	s18 =	sld [smem:$0x3FD0];
	(tm) =	ssettm $0x1  }
0x92: {  	s4 =	sld [smem:$0x3FFB];
	_ =	sdelay $0x3  }
0x93: {  	_ =	strace s4  }
0x94: {  	s4 =	sld [smem:$0x3FFC];
	_ =	sdelay $0x3  }
0x95: {  	_ =	strace s4  }
0x96: {  	s4 =	sld [smem:$0x3FFD];
	_ =	sdelay $0x3  }
0x97: {  	_ =	strace s4  }
0x98: {  	_ =	strace $0x8FFFFFFF  }
0x99: {  	s19 =	sld [smem:$0x3FDB];
	_ =	sdelay $0x1  }
0x9a: {  	s5 =	simm.s32 $_scs_section_size  }
0x9b: {  	s6 =	simm.s32 $_size__tile_overlayer_lowered;
	s7 =	simm.s32 $_tile_overlayer_lowered  }
0x9c: {  	s22 =	simm.s32 $0x1BFF;
	s21 =	sshll.u32 s7, $0x1;
	s4 =	sadd.s32 s5, s19  }
0x9d: {  	s8 =	simm.s32 $0x0;
	s20 =	sshll.u32 s6, $0x1;
	s6 =	sadd.s32 s21, s4  }
0x9e: {  	[timem:s8], [sflag:s22] =	dma.local [hbm:s6], s20  }
0x9f: {  	_ =	swait.ge [sflag:s22], s20  }
0xa0: {  	s5 =	ssub.s32 $0x0, s20;
	[sflag:s22] =	ssyncset.done $0x0  }
0xa1: {  	[sflag:s22] =	ssyncadd.s32 s5;
	_ =	sdelay $0x1  }
0xa2: {  	s23 =	simm.s32 $0x1B8B  }
0xa3: {  	_ =	swait.ge [sflag:s23], $0x1  }
0xa4: {  	[sflag:s23] =	ssyncset.done $0x0  }
0xa5: {  	s25 =	simm.s32 $0x1B8E;
	s24 =	sld [smem:$0x3FFE];
	[sflag:s23] =	ssyncadd.s32 $0xFFFFFFFF  }
0xa6: {  	s26 =	simm.s32 $execute0_lowered;
	[smem:$0x3FD2] =	sst s25  }
0xa7: {  	s6 =	sshll.u32 s26, $0x1;
	_ =	strace $0x80000046;
	[dreg:$0x1] =	wrdreg $0xFFFFFFFF  }
0xa8: {  	s28 =	simm.s32 $_size_execute0_lowered;
	s4 =	sadd.s32 s4, s6;
	[dreg:$0x0] =	wrdreg $0x0  }
0xa9: {  	s6 =	sshll.u32 s28, $0x1;
	[dreg:$0x2] =	wrdreg s4  }
0xaa: {  	[dreg:$0x3] =	wrdreg s6  }
0xab: {  	[dreg:$0x4] =	wrdreg $0xC0  }
0xac: {  	_ =	task [dreg:s8], $0x5FFFF  }
0xad: {  	[dreg:$0x1] =	wrdreg $0xFFFFFFFF  }
0xae: {  	[dreg:$0x0] =	wrdreg $0x60  }
0xaf: {  	[dreg:$0x2] =	wrdreg s2  }
0xb0: {  	[dreg:$0x3] =	wrdreg s18  }
0xb1: {  	[dreg:$0x4] =	wrdreg s24  }
0xb2: {  	[dreg:$0x5] =	wrdreg $0x71A00  }
0xb3: {  	[dreg:$0x6] =	wrdreg $0x9  }
0xb4: {  	_ =	task.clear_ibuf [dreg:s8], $0x7FFFF;
	_ =	strace $0x90000046  }
0xb5: {  	s29 =	simm.s32 $0x9;
	_ =	strace $0x80000048  }
0xb6: {  	_ =	swait.ge [sflag:s29], $0x1  }
0xb7: {  	[sflag:s29] =	ssyncadd.s32 $0xFFFFFFFF  }
0xb8: {  	_ =	strace $0x90000048  }
0xb9: {  	_ =	sfence  }
0xba: {  	s30 =	sld [smem:$0x0];
	_ =	sdelay $0x2  }
0xbb: {  	s31 =	sshll.u32 s1, $0xD;
	s1 =	sshrl.u32 s1, $0x2  }
0xbc: {  	s3 =	sand.u32 $0x4000, s31;
	s1 =	sadd.s32 s1, s30  }
0xbd: {  	s0 =	sor.u32 s3, s0;
	s1 =	sshll.u32 s1, $0x11  }
0xbe: {  	s0 =	sor.u32 s1, s0  }
0xbf: {  	s0 =	sadd.s32 $0x8F2B, s0  }
0xc0: {  	[sflag:s0] =	ssyncadd.remote.s32 $0x1  }
0xc1: {  	_ =	sfence.sel $0xFFFF  }
0xc2: {  	[dreg:$0x0] =	wrdreg $0xFFFFFFFF;
	(pc) =	sbr.abs _section_cstart, $3  }
0xc3: {  	[dreg:$0x1] =	wrdreg $0xFFFFFFFF  }
0xc4: {  	_ =	task.clear_ibuf [dreg:s8], $0x2FFFF;
	_ =	strace $0x9FFFFFFF  }
0xc5: {  	(tm) =	ssettm $0x7FFFFFFF  }
tec
execute0_lowered:
.L_overlay_start_1:
0x0: {  	(tag) =	ssettag $0x1  }
0x1: {  	s0 =	srdreg.scid  }
0x2: {  	s2 =	rddreg [dreg:$0x2];
	s1 =	simm.s32 $0x0;
	s19 =	stileid.u32  }
0x3: {  	s28 =	simm.s32 $0x140;
	s29 =	simm.s32 $0x180;
	s5 =	smul.u32 $0x2780, s19  }
0x4: {  	s4 =	sand.u32 $0x1, s0;
	[smem:$0x7FF] =	sst s1;
	s7 =	smul.u32 $0x13C00, s19  }
0x5: {  	s3 =	sshll.u32 s19, $0x1;
	s8 =	sadd.s32 $0xBE00, s2;
	s19 =	smul.u32 $0x9E00, s19  }
0x6: {  	s0 =	smul.u32 $0x27800, s4;
	s3 =	sor.u32 s4, s3;
	s6 =	ssub.s32 $0x2, s4  }
0x7: {  	s11 =	smul.u32 $0x13C000, s4;
	s20 =	sshrl.u32 s6, $0x1;
	s9 =	sadd.s32 $0x4000, s7  }
0x8: {  	s12 =	sadd.s32 $0x6000, s7;
	s13 =	sadd.s32 $0x8000, s7;
	s15 =	sadd.s32 $0xA000, s7  }
0x9: {  	s16 =	sadd.s32 $0xC000, s7;
	s17 =	sadd.s32 $0xE000, s7;
	s25 =	sadd.s32 $0x10000, s7  }
0xa: {  	s5 =	sadd.s32 s5, s0;
	s0 =	ssub.s32 s6, s20;
	s6 =	sadd.s32 $0x2000, s7  }
0xb: {  	s10 =	sadd.s32 s7, s11;
	s18 =	sadd.s32 s11, s9;
	s23 =	sadd.s32 s11, s12  }
0xc: {  	s24 =	sadd.s32 s11, s13;
	s14 =	sadd.s32 s11, s6;
	s10 =	sshrl.u32 s10, $0x3  }
0xd: {  	s26 =	sadd.s32 s11, s15;
	s14 =	sshrl.u32 s14, $0x3;
	s10 =	sadd.s32 s8, s10  }
0xe: {  	s22 =	sshrl.u32 s18, $0x3;
	[dreg:$0x5] =	wrdreg s10;
	s21 =	sadd.s32 s8, s14  }
0xf: {  	s20 =	sadd.s32 s11, s17;
	s10 =	sadd.s32 s8, s22;
	[dreg:$0x6] =	wrdreg s21  }
0x10: {  	s18 =	sadd.s32 s11, s16;
	s14 =	sshrl.u32 s24, $0x3;
	[dreg:$0x7] =	wrdreg s10  }
0x11: {  	s10 =	sshrl.u32 s23, $0x3;
	s31 =	sadd.s32 s8, s14;
	s14 =	sshrl.u32 s26, $0x3  }
0x12: {  	s21 =	sadd.s32 s11, s25;
	s26 =	sadd.s32 $0x12000, s7;
	[dreg:$0x9] =	wrdreg s31  }
0x13: {  	s10 =	sadd.s32 s8, s10;
	s24 =	sadd.s32 s11, s26;
	s11 =	rddreg [dreg:$0x1]  }
0x14: {  	[dreg:$0x8] =	wrdreg s10;
	s10 =	sadd.s32 s8, s14;
	s14 =	sshrl.u32 s20, $0x3  }
0x15: {  	s23 =	sshrl.u32 s21, $0x3;
	[dreg:$0xa] =	wrdreg s10;
	s22 =	sadd.s32 s8, s14  }
0x16: {  	s4 =	smul.u32 $0x4F00, s4;
	s14 =	sadd.s32 s8, s23;
	[dreg:$0xc] =	wrdreg s22  }
0x17: {  	s30 =	simm.s32 $0x1C0;
	s10 =	sshrl.u32 s18, $0x3;
	[dreg:$0xd] =	wrdreg s14  }
0x18: {  	s4 =	sadd.s32 s4, s19;
	s10 =	sadd.s32 s8, s10;
	s14 =	rddreg [dreg:$0x3]  }
0x19: {  	s5 =	sshrl.u32 s5, $0x3;
	s18 =	sshrl.u32 s24, $0x3;
	[dreg:$0xb] =	wrdreg s10  }
0x1a: {  	s0 =	smax.u32 s0, $0x1;
	s8 =	sadd.s32 s8, s18;
	s10 =	rddreg [dreg:$0x0]  }
0x1b: {  	s5 =	sadd.s32 s5, s2;
	s31 =	sshll.u32 s3, $0x2;
	[dreg:$0xe] =	wrdreg s8  }
0x1c: {  	s8 =	sadd.s32 s31, s2;
	s2 =	sadd.s32 $0x1C00, s2;
	s18 =	sadd.s32 s7, s14  }
0x1d: {  	s7 =	sadd.s32 s6, s14;
	s9 =	sadd.s32 s9, s14;
	s20 =	sadd.s32 s12, s14  }
0x1e: {  	s21 =	sadd.s32 s13, s14;
	s13 =	smul.u32 $0x4F00, s3;
	s22 =	sadd.s32 s15, s14  }
0x1f: {  	s23 =	sadd.s32 s16, s14;
	s24 =	sadd.s32 s17, s14;
	s25 =	sadd.s32 s25, s14  }
0x20: {  	s26 =	sadd.s32 s26, s14;
	_ =	strace $0x80000047;
	[dreg:$0xf] =	wrdreg s2  }
0x21: {  	s16 =	sadd.s32 $0x100, s4;
	s17 =	sadd.s32 $0x2000, s5;
	[dreg:$0x10] =	wrdreg s7  }
0x22: {  	s31 =	sadd.s32 $0x200, s4;
	s3 =	simm.s32 $0x4;
	[dreg:$0x11] =	wrdreg s9  }
0x23: {  	s4 =	simm.s32 $0x40;
	s5 =	simm.s32 $0x100;
	[dreg:$0x14] =	wrdreg s17  }
0x24: {  	s6 =	simm.s32 $0x1;
	s12 =	simm.s32 $0x0;
	[dreg:$0x15] =	wrdreg s0  }
0x25: {  	s15 =	sadd.s32 $0x1A00, s8;
	s19 =	sshrl.u32 s16, $0x3;
	[dreg:$0x16] =	wrdreg s31  }
0x26: {  	s7 =	simm.s32 $0x2220;
	s8 =	simm.s32 $0x80;
	s9 =	simm.s32 $0x4A20  }
0x27: {  	s16 =	simm.s32 $0xC0;
	s2 =	sshrl.u32 s13, $0x3;
	[dreg:$0x13] =	wrdreg s15  }
0x28: {  	s0 =	sadd.s32 s19, s11;
	s13 =	simm.s32 $0x3;
	s2 =	sadd.s32 s11, s2  }
0x29: {  	v0 =	vimm.f32 $0.0e+00;
	v1 =	vimm.f32 $1.000000000e+00;
	s15 =	simm.s32 $0x2;
	[dreg:$0x12] =	wrdreg s2;
	s2 =	simm.s32 $0x220  }
.LBB2_1:
0x2a: {  	s17 =	simm.s32 $0x40;
	s31 =	simm.s32 $0x0  }
.LBB2_2:
0x2b: {  	p0 =	sne.s32 s17, $0x9DC0;
	[tilespmem:s31+$0x4A20] =	vst v0;
	s31 =	smov.u32 s17;
	s17 =	sadd.s32 $0x40, s17  }
.Ltmp0:
0x2c: {  	(pc) =	sbr.rel @p0 .LBB2_2-.Ltmp0, $2  }
0x2d: {  	_ =	sdelay $0x2  }
0x2e: {  	s31 =	sshra.s32 s31, $0x2  }
0x2f: {  	[tilespmem:s31+$0x4A20] =	vst v0;
	s31 =	simm.s32 $0x0;
	s17 =	rddreg [dreg:$0xf]  }
0x30: {  	[tilespmem:s2], [sflag:$0x4] =	stream.linear.gather [hbm4b:s17+s31], $0x2000, $0x38;
	[tilespmem:$0x1ADA0] =	vst v63  }
0x31: {  	_ =	swait.ge [sflag:s3], $0x2000  }
0x32: {  	[sflag:s3] =	ssyncset.done $0x0  }
0x33: {  	[sflag:s3] =	ssyncadd.s32 $0xFFFFE000  }
0x34: {  	[spmem:s18] =	stream.linear.scatter [tilespmem:s2], [sflag:$0x4], $0x2000, $0x38;
	[tilespmem:$0x1ADA0] =	vst v63  }
0x35: {  	_ =	swait.ge [sflag:s3], $0x2000  }
0x36: {  	[sflag:s3] =	ssyncset.done $0x0  }
0x37: {  	s19 =	smov.u32 s18;
	s18 =	rddreg [dreg:$0x10];
	[sflag:s3] =	ssyncadd.s32 $0xFFFFE000  }
0x38: {  	[spmem:s18] =	stream.linear.scatter [tilespmem:s2], [sflag:$0x4], $0x2000, $0x38;
	[tilespmem:$0x1ADA0] =	vst v63  }
0x39: {  	_ =	swait.ge [sflag:s3], $0x2000  }
0x3a: {  	[sflag:s3] =	ssyncset.done $0x0  }
0x3b: {  	s18 =	rddreg [dreg:$0x11];
	[sflag:s3] =	ssyncadd.s32 $0xFFFFE000  }
0x3c: {  	[spmem:s18] =	stream.linear.scatter [tilespmem:s2], [sflag:$0x4], $0x2000, $0x38;
	[tilespmem:$0x1ADA0] =	vst v63  }
0x3d: {  	_ =	swait.ge [sflag:s3], $0x2000  }
0x3e: {  	[sflag:s3] =	ssyncset.done $0x0  }
0x3f: {  	[sflag:s3] =	ssyncadd.s32 $0xFFFFE000  }
0x40: {  	[spmem:s20] =	stream.linear.scatter [tilespmem:s2], [sflag:$0x4], $0x2000, $0x38;
	[tilespmem:$0x1ADA0] =	vst v63  }
0x41: {  	_ =	swait.ge [sflag:s3], $0x2000  }
0x42: {  	[sflag:s3] =	ssyncset.done $0x0  }
0x43: {  	[sflag:s3] =	ssyncadd.s32 $0xFFFFE000  }
0x44: {  	[spmem:s21] =	stream.linear.scatter [tilespmem:s2], [sflag:$0x4], $0x2000, $0x38;
	[tilespmem:$0x1ADA0] =	vst v63  }
0x45: {  	_ =	swait.ge [sflag:s3], $0x2000  }
0x46: {  	[sflag:s3] =	ssyncset.done $0x0  }
0x47: {  	[sflag:s3] =	ssyncadd.s32 $0xFFFFE000  }
0x48: {  	[spmem:s22] =	stream.linear.scatter [tilespmem:s2], [sflag:$0x4], $0x2000, $0x38;
	[tilespmem:$0x1ADA0] =	vst v63  }
0x49: {  	_ =	swait.ge [sflag:s3], $0x2000  }
0x4a: {  	[sflag:s3] =	ssyncset.done $0x0  }
0x4b: {  	[sflag:s3] =	ssyncadd.s32 $0xFFFFE000  }
0x4c: {  	[spmem:s23] =	stream.linear.scatter [tilespmem:s2], [sflag:$0x4], $0x2000, $0x38;
	[tilespmem:$0x1ADA0] =	vst v63  }
0x4d: {  	_ =	swait.ge [sflag:s3], $0x2000  }
0x4e: {  	[sflag:s3] =	ssyncset.done $0x0  }
0x4f: {  	[sflag:s3] =	ssyncadd.s32 $0xFFFFE000  }
0x50: {  	[spmem:s24] =	stream.linear.scatter [tilespmem:s2], [sflag:$0x4], $0x2000, $0x38;
	[tilespmem:$0x1ADA0] =	vst v63  }
0x51: {  	_ =	swait.ge [sflag:s3], $0x2000  }
0x52: {  	[sflag:s3] =	ssyncset.done $0x0  }
0x53: {  	[sflag:s3] =	ssyncadd.s32 $0xFFFFE000  }
0x54: {  	[spmem:s25] =	stream.linear.scatter [tilespmem:s2], [sflag:$0x4], $0x2000, $0x38;
	[tilespmem:$0x1ADA0] =	vst v63  }
0x55: {  	_ =	swait.ge [sflag:s3], $0x2000  }
0x56: {  	[sflag:s3] =	ssyncset.done $0x0  }
0x57: {  	[sflag:s3] =	ssyncadd.s32 $0xFFFFE000  }
0x58: {  	[spmem:s26] =	stream.linear.scatter [tilespmem:s2], [sflag:$0x4], $0x1C00, $0x38;
	[tilespmem:$0x1ADA0] =	vst v63  }
0x59: {  	_ =	swait.ge [sflag:s3], $0x1C00  }
0x5a: {  	[sflag:s3] =	ssyncset.done $0x0  }
0x5b: {  	[sflag:s3] =	ssyncadd.s32 $0xFFFFE400  }
0x5c: {  	[bflag:$0x0] =	sbarrier.arrive $0xFFFF  }
0x5d: {  	s18 =	rddreg [dreg:$0x12]  }
0x5e: {  	[tilespmem:s31], [sflag:$0x4] =	stream.linear.gather [hbm4b:s18+s31], $0x100, $0x38;
	[tilespmem:$0x1ADA0] =	vst v63  }
0x5f: {  	_ =	swait.ge [sflag:s3], $0x100  }
0x60: {  	[sflag:s3] =	ssyncset.done $0x0  }
0x61: {  	s17 =	rddreg [dreg:$0x16];
	[sflag:s3] =	ssyncadd.s32 $0xFFFFFF00  }
0x62: {  	[tilespmem:s2], [sflag:$0x1] =	stream.indirect.gather [hbm4b:s10+s4], $0x80, s31, s4, $0xb8;
	[tilespmem:$0x1ADA0] =	vst v63  }
.LBB2_4:
0x63: {  	s18 =	sadd.s32 s31, s0  }
0x64: {  	[tilespmem:s5], [sflag:$0x3] =	stream.linear.gather [hbm4b:s18+s1], $0x100, $0x38;
	[tilespmem:$0x1ADA0] =	vst v63  }
0x65: {  	_ =	swait.ge [sflag:s6], $0x2000  }
0x66: {  	[sflag:s6] =	ssyncset.done $0x0  }
0x67: {  	[sflag:s6] =	ssyncadd.s32 $0xFFFFE000  }
0x68: {  	[tilespmem:s7], [sflag:$0x2] =	stream.indirect.gather [hbm4b:s10+s4], $0x80, s4, s4, $0xb8;
	[tilespmem:$0x1ADA0] =	vst v63  }
0x69: {  	_ = 	snop  }
0x6a: {  	[spmem:s14] =	stream.indirect.scatter.add.f32 [tilespmem:s2], [sflag:$0x4], $0x80, s8, s4, $0xb8;
	[tilespmem:$0x1ADA0] =	vst v63  }
0x6b: {  	_ =	swait.ge [sflag:s3], $0x2000  }
0x6c: {  	[sflag:s3] =	ssyncset.done $0x0  }
0x6d: {  	[sflag:s3] =	ssyncadd.s32 $0xFFFFE000  }
0x6e: {  	v2 =	vld [tilespmem:$0x80];
	_ =	sdelay $0x7  }
0x6f: {  	[tilespmem:v2+s9+$0x0] =	vst.idx.add.f32.msk $0xffff, v1  }
0x70: {  	v2 =	vld [tilespmem:$0x90];
	_ =	sdelay $0x7  }
0x71: {  	[tilespmem:v2+s9+$0x0] =	vst.idx.add.f32.msk $0xffff, v1  }
0x72: {  	v2 =	vld [tilespmem:$0xA0];
	_ =	sdelay $0x7  }
0x73: {  	[tilespmem:v2+s9+$0x0] =	vst.idx.add.f32.msk $0xffff, v1  }
0x74: {  	v2 =	vld [tilespmem:$0xB0];
	_ =	sdelay $0x7  }
0x75: {  	[tilespmem:v2+s9+$0x0] =	vst.idx.add.f32.msk $0xffff, v1  }
0x76: {  	_ =	swait.ge [sflag:s13], $0x100  }
0x77: {  	[sflag:s13] =	ssyncset.done $0x0  }
0x78: {  	[sflag:s13] =	ssyncadd.s32 $0xFFFFFF00  }
0x79: {  	[tilespmem:s2], [sflag:$0x1] =	stream.indirect.gather [hbm4b:s10+s4], $0x80, s5, s4, $0xb8;
	[tilespmem:$0x1ADA0] =	vst v63  }
0x7a: {  	_ =	swait.ge [sflag:s15], $0x2000  }
0x7b: {  	[sflag:s15] =	ssyncset.done $0x0  }
0x7c: {  	[sflag:s15] =	ssyncadd.s32 $0xFFFFE000  }
0x7d: {  	[spmem:s14] =	stream.indirect.scatter.add.f32 [tilespmem:s7], [sflag:$0x4], $0x80, s16, s4, $0xb8;
	[tilespmem:$0x1ADA0] =	vst v63  }
0x7e: {  	_ =	swait.ge [sflag:s3], $0x2000  }
0x7f: {  	[sflag:s3] =	ssyncset.done $0x0  }
0x80: {  	[sflag:s3] =	ssyncadd.s32 $0xFFFFE000  }
0x81: {  	v2 =	vld [tilespmem:$0xC0];
	_ =	sdelay $0x7  }
0x82: {  	[tilespmem:v2+s9+$0x0] =	vst.idx.add.f32.msk $0xffff, v1  }
0x83: {  	v2 =	vld [tilespmem:$0xD0];
	_ =	sdelay $0x7  }
0x84: {  	[tilespmem:v2+s9+$0x0] =	vst.idx.add.f32.msk $0xffff, v1  }
0x85: {  	v2 =	vld [tilespmem:$0xE0];
	_ =	sdelay $0x7  }
0x86: {  	[tilespmem:v2+s9+$0x0] =	vst.idx.add.f32.msk $0xffff, v1  }
0x87: {  	v2 =	vld [tilespmem:$0xF0];
	_ =	sdelay $0x6  }
0x88: {  	s18 =	sshrl.u32 s17, $0x3  }
0x89: {  	s18 =	sadd.s32 s11, s18;
	[tilespmem:v2+s9+$0x0] =	vst.idx.add.f32.msk $0xffff, v1  }
0x8a: {  	[tilespmem:s1], [sflag:$0x3] =	stream.linear.gather [hbm4b:s18+s1], $0x100, $0x38;
	[tilespmem:$0x1ADA0] =	vst v63  }
0x8b: {  	_ =	swait.ge [sflag:s6], $0x2000  }
0x8c: {  	[sflag:s6] =	ssyncset.done $0x0  }
0x8d: {  	[sflag:s6] =	ssyncadd.s32 $0xFFFFE000  }
0x8e: {  	[tilespmem:s7], [sflag:$0x2] =	stream.indirect.gather [hbm4b:s10+s4], $0x80, s28, s4, $0xb8;
	[tilespmem:$0x1ADA0] =	vst v63  }
0x8f: {  	_ = 	snop  }
0x90: {  	[spmem:s14] =	stream.indirect.scatter.add.f32 [tilespmem:s2], [sflag:$0x4], $0x80, s29, s4, $0xb8;
	[tilespmem:$0x1ADA0] =	vst v63  }
0x91: {  	_ =	swait.ge [sflag:s3], $0x2000  }
0x92: {  	[sflag:s3] =	ssyncset.done $0x0  }
0x93: {  	[sflag:s3] =	ssyncadd.s32 $0xFFFFE000  }
0x94: {  	v2 =	vld [tilespmem:$0x180];
	_ =	sdelay $0x7  }
0x95: {  	[tilespmem:v2+s9+$0x0] =	vst.idx.add.f32.msk $0xffff, v1  }
0x96: {  	v2 =	vld [tilespmem:$0x190];
	_ =	sdelay $0x7  }
0x97: {  	[tilespmem:v2+s9+$0x0] =	vst.idx.add.f32.msk $0xffff, v1  }
0x98: {  	v2 =	vld [tilespmem:$0x1A0];
	_ =	sdelay $0x7  }
0x99: {  	[tilespmem:v2+s9+$0x0] =	vst.idx.add.f32.msk $0xffff, v1  }
0x9a: {  	v2 =	vld [tilespmem:$0x1B0];
	_ =	sdelay $0x7  }
0x9b: {  	[tilespmem:v2+s9+$0x0] =	vst.idx.add.f32.msk $0xffff, v1  }
0x9c: {  	_ =	swait.ge [sflag:s13], $0x100  }
0x9d: {  	[sflag:s13] =	ssyncset.done $0x0  }
0x9e: {  	[sflag:s13] =	ssyncadd.s32 $0xFFFFFF00  }
0x9f: {  	[tilespmem:s2], [sflag:$0x1] =	stream.indirect.gather [hbm4b:s10+s4], $0x80, s1, s4, $0xb8;
	[tilespmem:$0x1ADA0] =	vst v63  }
0xa0: {  	_ =	swait.ge [sflag:s15], $0x2000  }
0xa1: {  	[sflag:s15] =	ssyncset.done $0x0  }
0xa2: {  	[sflag:s15] =	ssyncadd.s32 $0xFFFFE000  }
0xa3: {  	[spmem:s14] =	stream.indirect.scatter.add.f32 [tilespmem:s7], [sflag:$0x4], $0x80, s30, s4, $0xb8;
	[tilespmem:$0x1ADA0] =	vst v63  }
0xa4: {  	_ =	swait.ge [sflag:s3], $0x2000  }
0xa5: {  	[sflag:s3] =	ssyncset.done $0x0  }
0xa6: {  	[sflag:s3] =	ssyncadd.s32 $0xFFFFE000  }
0xa7: {  	v2 =	vld [tilespmem:$0x1C0];
	_ =	sdelay $0x7  }
0xa8: {  	[tilespmem:v2+s9+$0x0] =	vst.idx.add.f32.msk $0xffff, v1  }
0xa9: {  	v2 =	vld [tilespmem:$0x1D0];
	_ =	sdelay $0x7  }
0xaa: {  	[tilespmem:v2+s9+$0x0] =	vst.idx.add.f32.msk $0xffff, v1  }
0xab: {  	v2 =	vld [tilespmem:$0x1E0];
	_ =	sdelay $0x7  }
0xac: {  	[tilespmem:v2+s9+$0x0] =	vst.idx.add.f32.msk $0xffff, v1  }
0xad: {  	v2 =	vld [tilespmem:$0x1F0];
	_ =	sdelay $0x2  }
0xae: {  	p0 =	sne.s32 s31, $0x980  }
.Ltmp1:
0xaf: {  	_ = 	snop;
	(pc) =	sbr.rel @p0 .LBB2_4-.Ltmp1, $2  }
0xb0: {  	_ =	sdelay $0x2  }
0xb1: {  	s31 =	sadd.s32 $0x40, s31;
	s17 =	sadd.s32 $0x200, s17;
	[tilespmem:v2+s9+$0x0] =	vst.idx.add.f32.msk $0xffff, v1  }
0xb2: {  	_ =	swait.ge [sflag:s6], $0x2000  }
0xb3: {  	[sflag:s6] =	ssyncset.done $0x0  }
0xb4: {  	s18 =	simm.s32 $0x200;
	s17 =	rddreg [dreg:$0x13];
	[sflag:s6] =	ssyncadd.s32 $0xFFFFE000  }
0xb5: {  	[tilespmem:s18], [sflag:$0x4] =	stream.linear.gather [hbm4b:s17+s1], $0x20, $0x38;
	[tilespmem:$0x1ADA0] =	vst v63  }
0xb6: {  	_ =	swait.ge [sflag:s3], $0x20  }
0xb7: {  	[sflag:s3] =	ssyncset.done $0x0  }
0xb8: {  	s31 =	simm.s32 $0x4220;
	s17 =	simm.s32 $0x10;
	[sflag:s3] =	ssyncadd.s32 $0xFFFFFFE0  }
0xb9: {  	[tilespmem:s31], [sflag:$0x2] =	stream.indirect.gather [hbm4b:s10+s17], $0x80, s18, s17, $0xb8;
	[tilespmem:$0x1ADA0] =	vst v63  }
0xba: {  	_ =	swait.ge [sflag:s15], $0x800  }
0xbb: {  	[sflag:s15] =	ssyncset.done $0x0  }
0xbc: {  	s18 =	simm.s32 $0x210;
	[sflag:s15] =	ssyncadd.s32 $0xFFFFF800  }
0xbd: {  	[spmem:s14] =	stream.indirect.scatter.add.f32 [tilespmem:s31], [sflag:$0x4], $0x80, s18, s17, $0xb8;
	[tilespmem:$0x1ADA0] =	vst v63  }
0xbe: {  	_ =	swait.ge [sflag:s3], $0x800  }
0xbf: {  	[sflag:s3] =	ssyncset.done $0x0  }
0xc0: {  	[sflag:s3] =	ssyncadd.s32 $0xFFFFF800  }
0xc1: {  	v2 =	vld [tilespmem:$0x210];
	_ =	sdelay $0x7  }
0xc2: {  	s18 =	rddreg [dreg:$0x14];
	[tilespmem:v2+s9+$0x0] =	vst.idx.add.f32.msk $0xffff, v1  }
0xc3: {  	[hbm4b:s18+s1] =	stream.linear.scatter [tilespmem:s9], [sflag:$0x4], $0x2780, $0x38;
	[tilespmem:$0x1ADA0] =	vst v63  }
0xc4: {  	_ =	swait.ge [sflag:s3], $0x2780  }
0xc5: {  	[sflag:s3] =	ssyncset.done $0x0  }
0xc6: {  	[sflag:s3] =	ssyncadd.s32 $0xFFFFD880  }
0xc7: {  	[bflag:$0x0] =	sbarrier.arrive $0xFFFF  }
0xc8: {  	[tilespmem:s2], [sflag:$0x4] =	stream.linear.gather [spmem:s19], $0x2000, $0x38;
	[tilespmem:$0x1ADA0] =	vst v63  }
0xc9: {  	_ =	swait.ge [sflag:s3], $0x2000  }
0xca: {  	[sflag:s3] =	ssyncset.done $0x0  }
0xcb: {  	s31 =	rddreg [dreg:$0x5];
	[sflag:s3] =	ssyncadd.s32 $0xFFFFE000  }
0xcc: {  	[hbm4b:s31+s1] =	stream.linear.scatter [tilespmem:s2], [sflag:$0x4], $0x2000, $0x38;
	[tilespmem:$0x1ADA0] =	vst v63  }
0xcd: {  	_ =	swait.ge [sflag:s3], $0x2000  }
0xce: {  	[sflag:s3] =	ssyncset.done $0x0  }
0xcf: {  	s18 =	smov.u32 s19;
	s19 =	rddreg [dreg:$0x10];
	[sflag:s3] =	ssyncadd.s32 $0xFFFFE000  }
0xd0: {  	[tilespmem:s2], [sflag:$0x4] =	stream.linear.gather [spmem:s19], $0x2000, $0x38;
	[tilespmem:$0x1ADA0] =	vst v63  }
0xd1: {  	_ =	swait.ge [sflag:s3], $0x2000  }
0xd2: {  	[sflag:s3] =	ssyncset.done $0x0  }
0xd3: {  	s31 =	rddreg [dreg:$0x6];
	[sflag:s3] =	ssyncadd.s32 $0xFFFFE000  }
0xd4: {  	[hbm4b:s31+s1] =	stream.linear.scatter [tilespmem:s2], [sflag:$0x4], $0x2000, $0x38;
	[tilespmem:$0x1ADA0] =	vst v63  }
0xd5: {  	_ =	swait.ge [sflag:s3], $0x2000  }
0xd6: {  	[sflag:s3] =	ssyncset.done $0x0  }
0xd7: {  	s19 =	rddreg [dreg:$0x11];
	[sflag:s3] =	ssyncadd.s32 $0xFFFFE000  }
0xd8: {  	[tilespmem:s2], [sflag:$0x4] =	stream.linear.gather [spmem:s19], $0x2000, $0x38;
	[tilespmem:$0x1ADA0] =	vst v63  }
0xd9: {  	_ =	swait.ge [sflag:s3], $0x2000  }
0xda: {  	[sflag:s3] =	ssyncset.done $0x0  }
0xdb: {  	s31 =	rddreg [dreg:$0x7];
	[sflag:s3] =	ssyncadd.s32 $0xFFFFE000  }
0xdc: {  	[hbm4b:s31+s1] =	stream.linear.scatter [tilespmem:s2], [sflag:$0x4], $0x2000, $0x38;
	[tilespmem:$0x1ADA0] =	vst v63  }
0xdd: {  	_ =	swait.ge [sflag:s3], $0x2000  }
0xde: {  	[sflag:s3] =	ssyncset.done $0x0  }
0xdf: {  	[sflag:s3] =	ssyncadd.s32 $0xFFFFE000  }
0xe0: {  	[tilespmem:s2], [sflag:$0x4] =	stream.linear.gather [spmem:s20], $0x2000, $0x38;
	[tilespmem:$0x1ADA0] =	vst v63  }
0xe1: {  	_ =	swait.ge [sflag:s3], $0x2000  }
0xe2: {  	[sflag:s3] =	ssyncset.done $0x0  }
0xe3: {  	s19 =	rddreg [dreg:$0x8];
	[sflag:s3] =	ssyncadd.s32 $0xFFFFE000  }
0xe4: {  	[hbm4b:s19+s1] =	stream.linear.scatter [tilespmem:s2], [sflag:$0x4], $0x2000, $0x38;
	[tilespmem:$0x1ADA0] =	vst v63  }
0xe5: {  	_ =	swait.ge [sflag:s3], $0x2000  }
0xe6: {  	[sflag:s3] =	ssyncset.done $0x0  }
0xe7: {  	[sflag:s3] =	ssyncadd.s32 $0xFFFFE000  }
0xe8: {  	[tilespmem:s2], [sflag:$0x4] =	stream.linear.gather [spmem:s21], $0x2000, $0x38;
	[tilespmem:$0x1ADA0] =	vst v63  }
0xe9: {  	_ =	swait.ge [sflag:s3], $0x2000  }
0xea: {  	[sflag:s3] =	ssyncset.done $0x0  }
0xeb: {  	s31 =	rddreg [dreg:$0x9];
	[sflag:s3] =	ssyncadd.s32 $0xFFFFE000  }
0xec: {  	[hbm4b:s31+s1] =	stream.linear.scatter [tilespmem:s2], [sflag:$0x4], $0x2000, $0x38;
	[tilespmem:$0x1ADA0] =	vst v63  }
0xed: {  	_ =	swait.ge [sflag:s3], $0x2000  }
0xee: {  	[sflag:s3] =	ssyncset.done $0x0  }
0xef: {  	[sflag:s3] =	ssyncadd.s32 $0xFFFFE000  }
0xf0: {  	[tilespmem:s2], [sflag:$0x4] =	stream.linear.gather [spmem:s22], $0x2000, $0x38;
	[tilespmem:$0x1ADA0] =	vst v63  }
0xf1: {  	_ =	swait.ge [sflag:s3], $0x2000  }
0xf2: {  	[sflag:s3] =	ssyncset.done $0x0  }
0xf3: {  	s19 =	rddreg [dreg:$0xa];
	[sflag:s3] =	ssyncadd.s32 $0xFFFFE000  }
0xf4: {  	[hbm4b:s19+s1] =	stream.linear.scatter [tilespmem:s2], [sflag:$0x4], $0x2000, $0x38;
	[tilespmem:$0x1ADA0] =	vst v63  }
0xf5: {  	_ =	swait.ge [sflag:s3], $0x2000  }
0xf6: {  	[sflag:s3] =	ssyncset.done $0x0  }
0xf7: {  	[sflag:s3] =	ssyncadd.s32 $0xFFFFE000  }
0xf8: {  	[tilespmem:s2], [sflag:$0x4] =	stream.linear.gather [spmem:s23], $0x2000, $0x38;
	[tilespmem:$0x1ADA0] =	vst v63  }
0xf9: {  	_ =	swait.ge [sflag:s3], $0x2000  }
0xfa: {  	[sflag:s3] =	ssyncset.done $0x0  }
0xfb: {  	s31 =	rddreg [dreg:$0xb];
	[sflag:s3] =	ssyncadd.s32 $0xFFFFE000  }
0xfc: {  	[hbm4b:s31+s1] =	stream.linear.scatter [tilespmem:s2], [sflag:$0x4], $0x2000, $0x38;
	[tilespmem:$0x1ADA0] =	vst v63  }
0xfd: {  	_ =	swait.ge [sflag:s3], $0x2000  }
0xfe: {  	[sflag:s3] =	ssyncset.done $0x0  }
0xff: {  	[sflag:s3] =	ssyncadd.s32 $0xFFFFE000  }
0x100: {  	[tilespmem:s2], [sflag:$0x4] =	stream.linear.gather [spmem:s24], $0x2000, $0x38;
	[tilespmem:$0x1ADA0] =	vst v63  }
0x101: {  	_ =	swait.ge [sflag:s3], $0x2000  }
0x102: {  	[sflag:s3] =	ssyncset.done $0x0  }
0x103: {  	s19 =	rddreg [dreg:$0xc];
	[sflag:s3] =	ssyncadd.s32 $0xFFFFE000  }
0x104: {  	[hbm4b:s19+s1] =	stream.linear.scatter [tilespmem:s2], [sflag:$0x4], $0x2000, $0x38;
	[tilespmem:$0x1ADA0] =	vst v63  }
0x105: {  	_ =	swait.ge [sflag:s3], $0x2000  }
0x106: {  	[sflag:s3] =	ssyncset.done $0x0  }
0x107: {  	[sflag:s3] =	ssyncadd.s32 $0xFFFFE000  }
0x108: {  	[tilespmem:s2], [sflag:$0x4] =	stream.linear.gather [spmem:s25], $0x2000, $0x38;
	[tilespmem:$0x1ADA0] =	vst v63  }
0x109: {  	_ =	swait.ge [sflag:s3], $0x2000  }
0x10a: {  	[sflag:s3] =	ssyncset.done $0x0  }
0x10b: {  	s31 =	rddreg [dreg:$0xd];
	[sflag:s3] =	ssyncadd.s32 $0xFFFFE000  }
0x10c: {  	[hbm4b:s31+s1] =	stream.linear.scatter [tilespmem:s2], [sflag:$0x4], $0x2000, $0x38;
	[tilespmem:$0x1ADA0] =	vst v63  }
0x10d: {  	_ =	swait.ge [sflag:s3], $0x2000  }
0x10e: {  	[sflag:s3] =	ssyncset.done $0x0  }
0x10f: {  	[sflag:s3] =	ssyncadd.s32 $0xFFFFE000  }
0x110: {  	[tilespmem:s2], [sflag:$0x4] =	stream.linear.gather [spmem:s26], $0x1C00, $0x38;
	[tilespmem:$0x1ADA0] =	vst v63  }
0x111: {  	_ =	swait.ge [sflag:s3], $0x1C00  }
0x112: {  	[sflag:s3] =	ssyncset.done $0x0  }
0x113: {  	s19 =	rddreg [dreg:$0xe];
	[sflag:s3] =	ssyncadd.s32 $0xFFFFE400  }
0x114: {  	[hbm4b:s19+s1] =	stream.linear.scatter [tilespmem:s2], [sflag:$0x4], $0x1C00, $0x38;
	[tilespmem:$0x1ADA0] =	vst v63  }
0x115: {  	_ =	swait.ge [sflag:s3], $0x1C00  }
0x116: {  	s12 =	sadd.s32 $0x1, s12;
	s31 =	rddreg [dreg:$0x15]  }
0x117: {  	p0 =	sne.s32 s12, s31  }
.Ltmp2:
0x118: {  	_ = 	snop;
	(pc) =	sbr.rel @p0 .LBB2_1-.Ltmp2, $3  }
0x119: {  	_ =	sdelay $0x1  }
0x11a: {  	[sflag:s3] =	ssyncset.done $0x0  }
0x11b: {  	[sflag:s3] =	ssyncadd.s32 $0xFFFFE400  }
0x11c: {  	_ =	sfence.sel $0x180000  }
0x11d: {  	[bflag:$0x0] =	sbarrier.arrive $0xFFFF  }
0x11e: {  	_ =	strace $0x90000047  }
0x11f: {  	s0 =	stileid.u32;
	[bflag:$0x2] =	sbarrier.arrive $0xFFFF  }
0x120: {  	p0 =	sne.s32 s0, $0x0;
	s0 =	rddreg [dreg:$0x4]  }
0x121: {  	s0 =	sadd.s32 @!p0 $0x100000, s0  }
0x122: {  	[sflag:s0] =	ssyncadd.tile.s32 @!p0 $0x1;
	_ =	shalt  }
.Lfunc_end2:
_tile_overlayer_lowered:
.L_overlay_start_2:
0x123: {  	(tag) =	ssettag $0x2  }
0x124: {  	s0 =	rddreg [dreg:$0x0];
	s2 =	stileid.u32  }
0x125: {  	s1 =	rddreg [dreg:$0x1];
	p0 =	sne.s32 s2, $0x0  }
0x126: {  	s3 =	rddreg [dreg:$0x2];
	[bflag:$0x3] =	sbarrier.arrive $0xFFFF;
	s2 =	simm.s32 @!p0 $0x1C04  }
0x127: {  	[timem:s3], [sflag:s2] =	dma.local @!p0 [hbm:s0], s1  }
0x128: {  	s0 =	simm.s32 @!p0 $0x4  }
0x129: {  	_ =	swait.ge @!p0 [sflag:s0], s1  }
0x12a: {  	s1 =	ssub.s32 @!p0 $0x0, s1;
	[sflag:s0] =	ssyncset.done @!p0 $0x0  }
0x12b: {  	[sflag:s0] =	ssyncadd.s32 @!p0 s1  }
0x12c: {  	[bflag:$0x3] =	sbarrier.arrive $0xFFFF  }
0x12d: {  	_ =	shalt  }

</sc_bundles>
